<compile_context>
chip_gen: v7x
topology: tpu7x:2x2x1
jax: 0.10.2.dev20260603
libtpu: 0.0.44.dev20260713+nightly
codegen_flags: <defaults>
</compile_context>

<pallas_src>
import functools

import jax
import jax.numpy as jnp
from jax import lax
from jax.experimental import pallas as pl
from jax.experimental.pallas import tpu as pltpu
from jax.experimental.pallas import tpu_sc as plsc

_LANES = 16
_BLK_R = 16
_TC_BLK_S = 512
_SC_PREFIX = 512


def _sc_add_prefix(x2, pe, batch, prefix):
    rows, d = x2.shape
    seq = pe.shape[0]
    seq_blocks = seq // _BLK_R
    mesh = plsc.VectorSubcoreMesh(core_axis_name="core", subcore_axis_name="subcore")

    def x_map(i):
        return (lax.rem(i, batch) * seq_blocks + lax.div(i, batch), 0)

    def pe_map(i):
        return (lax.div(i, batch), 0)

    def o_map(i):
        return (lax.rem(i, batch), lax.div(i, batch), 0)

    @functools.partial(
        pl.kernel,
        out_type=jax.ShapeDtypeStruct((batch, prefix, d), x2.dtype),
        mesh=mesh,
    )
    def run(x_hbm, pe_hbm, o_hbm):
        def body(x_vmem, pe_vmem, o_vmem):
            @pl.loop(0, _BLK_R)
            def _row(r):
                @pl.loop(0, d, step=_LANES, unroll=8)
                def _col(c):
                    slc = (pl.ds(r, 1), pl.ds(c, _LANES))
                    o_vmem.at[slc][...] = x_vmem.at[slc][...] + pe_vmem.at[slc][...]

        pltpu.emit_pipeline(
            body,
            grid=(batch * prefix // _BLK_R,),
            in_specs=[
                pl.BlockSpec((_BLK_R, d), x_map),
                pl.BlockSpec((_BLK_R, d), pe_map),
            ],
            out_specs=[pl.BlockSpec((None, _BLK_R, d), o_map)],
            core_axis_name=("core", "subcore"),
            dimension_semantics=(pltpu.PARALLEL,),
        )(x_hbm, pe_hbm, o_hbm)

    return run(x2, pe)


def _tc_add_tail(x, pe, seq_off):
    b, s, d = x.shape
    k = seq_off // _TC_BLK_S

    def body(x_ref, pe_ref, o_ref):
        o_ref[...] = x_ref[...] + pe_ref[...]

    xo_map = lambda i, bb: (bb, i + k, 0)
    return pl.pallas_call(
        body,
        grid=(s // _TC_BLK_S - k, b),
        in_specs=[
            pl.BlockSpec((1, _TC_BLK_S, d), xo_map),
            pl.BlockSpec((_TC_BLK_S, d), lambda i, bb: (i + k, 0)),
        ],
        out_specs=pl.BlockSpec((1, _TC_BLK_S, d), xo_map),
        out_shape=jax.ShapeDtypeStruct((b, s, d), x.dtype),
    )(x, pe)


def kernel(x, pos_embedding):
    b, s, d = x.shape
    pe = pos_embedding[:s]
    x2 = x.reshape(b * s, d)
    sc_out = _sc_add_prefix(x2, pe, b, _SC_PREFIX)
    tc_full = _tc_add_tail(x, pe, _SC_PREFIX)
    return lax.dynamic_update_slice(tc_full, sc_out, (0, 0, 0))

# --- scband reference (transcript-rebuilt; emitter-appended) ---
"""Pipeline reference for scband-learned-positional-encoding-33543694582469 (READ-ONLY COPY).

The authoritative reference and input builder live on the scoring server;
editing this copy changes nothing except your own understanding.
"""

import jax, jax.numpy as jnp
import numpy as np

D_MODEL = 1024
MAX_LEN = 8192
BATCH = 4
SEQ_LEN = 8192

def setup_inputs(seed: int = 0) -> dict:
    key = jax.random.key(seed)
    k_x, k_emb = jax.random.split(key)
    x = jax.random.normal(k_x, (BATCH, SEQ_LEN, D_MODEL), dtype=jnp.float32)
    # nn.Embedding default init: N(0, 1)
    pos_embedding = jax.random.normal(k_emb, (MAX_LEN, D_MODEL), dtype=jnp.float32)
    return {"x": x, "pos_embedding": pos_embedding}

def reference(x, pos_embedding):
    batch_size, seq_len, _ = x.shape
    position_ids = jnp.arange(seq_len)  # [S]
    # embedding lookup (gather) then broadcast-add over batch
    pos_embeddings = jnp.take(pos_embedding, position_ids, axis=0)  # [S, D]
    out = x + pos_embeddings[None, :, :]
    # dropout p=0.0 -> identity
    return out

if __name__ == "__main__":
    import jax
    _d = setup_inputs()
    print(jax.jit(kernel)(*tuple(_d.values())))

</pallas_src>

<mosaic_0001>
#map = affine_map<(d0, d1) -> (0, 0)>
#map1 = affine_map<(d0, d1) -> (0, 0, 0)>
module attributes {stable_mosaic.version = 14 : i64} {
  func.func @run(%arg0: i32, %arg1: i32, %arg2: memref<32768x1024xf32, #tpu.memory_space<hbm>>, %arg3: memref<8192x1024xf32, #tpu.memory_space<hbm>>, %arg4: memref<4x512x1024xf32, #tpu.memory_space<hbm>>) attributes {dimension_semantics = [#tpu.dimension_semantics<core_parallel>, #tpu.dimension_semantics<subcore_parallel>], iteration_bounds = array<i64: 2, 16>, scalar_prefetch = 0 : i64, scratch_operands = 0 : i64, tpu.core_type = #tpu.core_type<sc_vector_subcore>, window_params = [{transform_indices = #map}, {transform_indices = #map}, {transform_indices = #map1}]} {
    %mul3A = arith.constant 1 : i32
    %mul3A_0 = arith.muli %arg1, %mul3A : i32
    %add3A = arith.constant 0 : i32
    %add3A_1 = arith.addi %add3A, %mul3A_0 : i32
    %mul3A_2 = arith.constant 16 : i32
    %mul3A_3 = arith.muli %arg0, %mul3A_2 : i32
    %add3A_4 = arith.addi %add3A_1, %mul3A_3 : i32
    %mul3A_5 = arith.constant 4 : i32
    %mul3A_6 = arith.muli %add3A_4, %mul3A_5 : i32
    "tpu.region"() ({
      %run_scoped3A = memref.alloca() : memref<2x16x1024xf32, #tpu.memory_space<vmem>>
      %run_scoped3A_7 = tpu.sem_alloc : memref<2x!tpu.dma_semaphore, #tpu.memory_space<semaphore_mem>>
      %run_scoped3A_8 = memref.alloca() : memref<2x16x1024xf32, #tpu.memory_space<vmem>>
      %run_scoped3A_9 = tpu.sem_alloc : memref<2x!tpu.dma_semaphore, #tpu.memory_space<semaphore_mem>>
      %run_scoped3A_10 = memref.alloca() : memref<2x16x1024xf32, #tpu.memory_space<vmem>>
      %run_scoped3A_11 = tpu.sem_alloc : memref<2x!tpu.dma_semaphore, #tpu.memory_space<semaphore_mem>>
      %add3A_12 = arith.constant 0 : i32
      %add3A_13 = arith.addi %add3A_12, %mul3A_6 : i32
      %select_n3A = arith.constant true
      %select_n3A_14 = arith.constant 0 : i32
      %select_n3A_15 = arith.constant -1 : i32
      %select_n3A_16 = arith.select %select_n3A, %select_n3A_15, %select_n3A_14 : i32
      %eq3A = arith.constant -1 : i32
      %eq3A_17 = arith.cmpi eq, %select_n3A_16, %eq3A : i32
      %select_n3A_18 = arith.constant 3 : i32
      %select_n3A_19 = arith.select %eq3A_17, %select_n3A_18, %select_n3A_16 : i32
      %add3A_20 = arith.addi %select_n3A_19, %mul3A_6 : i32
      %select_n3A_21 = arith.constant true
      %select_n3A_22 = arith.constant 0 : i32
      %select_n3A_23 = arith.constant 1 : i32
      %select_n3A_24 = arith.select %select_n3A_21, %select_n3A_23, %select_n3A_22 : i32
      %eq3A_25 = arith.constant 4 : i32
      %eq3A_26 = arith.cmpi eq, %select_n3A_24, %eq3A_25 : i32
      %select_n3A_27 = arith.constant 0 : i32
      %select_n3A_28 = arith.select %eq3A_26, %select_n3A_27, %select_n3A_24 : i32
      %add3A_29 = arith.addi %select_n3A_28, %mul3A_6 : i32
      %add3A_30 = arith.constant 1 : i32
      %add3A_31 = arith.addi %select_n3A_28, %add3A_30 : i32
      %select_n3A_32 = arith.constant true
      %select_n3A_33 = arith.select %select_n3A_32, %add3A_31, %select_n3A_28 : i32
      %eq3A_34 = arith.constant 4 : i32
      %eq3A_35 = arith.cmpi eq, %select_n3A_33, %eq3A_34 : i32
      %select_n3A_36 = arith.constant 0 : i32
      %select_n3A_37 = arith.select %eq3A_35, %select_n3A_36, %select_n3A_33 : i32
      %add3A_38 = arith.addi %select_n3A_37, %mul3A_6 : i32
      "tpu.trace_start"() <{level = 10 : i32, message = "ep_initialize_0"}> : () -> ()
      %rem3A = arith.constant 0 : i32
      %rem3A_39 = arith.constant 2 : i32
      %rem3A_40 = arith.remui %rem3A, %rem3A_39 : i32
      %rem3A_41 = arith.constant 4 : i32
      %rem3A_42 = arith.remsi %add3A_13, %rem3A_41 : i32
      %mul3A_43 = arith.constant 512 : i32
      %mul3A_44 = arith.muli %rem3A_42, %mul3A_43 : i32
      %div3A = arith.constant 4 : i32
      %div3A_45 = arith.divsi %add3A_13, %div3A : i32
      %add3A_46 = arith.addi %mul3A_44, %div3A_45 : i32
      %mul3A_47 = arith.constant 16 : i32
      %mul3A_48 = arith.muli %mul3A_47, %add3A_46 : i32
      %dma_start3A = arith.constant 0 : i32
      %dma_start3A_49 = arith.constant 0 : i32
      %dma_start3A_50 = tpu.memref_slice %run_scoped3A[%rem3A_40, %dma_start3A, %dma_start3A_49] : memref<2x16x1024xf32, #tpu.memory_space<vmem>> -> memref<1x16x1024xf32, #tpu.memory_space<vmem>>
      %dma_start3A_51 = tpu.memref_squeeze %dma_start3A_50 : memref<1x16x1024xf32, #tpu.memory_space<vmem>> -> memref<16x1024xf32, #tpu.memory_space<vmem>>
      %dma_start3A_52 = arith.constant 0 : i32
      %dma_start3A_53 = tpu.memref_slice %arg2[%mul3A_48, %dma_start3A_52] : memref<32768x1024xf32, #tpu.memory_space<hbm>> -> memref<16x1024xf32, #tpu.memory_space<hbm>>
      %dma_start3A_54 = tpu.memref_slice %run_scoped3A_7[%rem3A_40] : memref<2x!tpu.dma_semaphore, #tpu.memory_space<semaphore_mem>> -> memref<1x!tpu.dma_semaphore, #tpu.memory_space<semaphore_mem>>
      %dma_start3A_55 = tpu.memref_squeeze %dma_start3A_54 : memref<1x!tpu.dma_semaphore, #tpu.memory_space<semaphore_mem>> -> memref<!tpu.dma_semaphore, #tpu.memory_space<semaphore_mem>>
      %dma_start3A_56 = arith.constant 0 : i32
      %dma_start3A_57 = arith.constant 0 : i32
      %dma_start3A_58 = tpu.memref_slice %run_scoped3A[%rem3A_40, %dma_start3A_56, %dma_start3A_57] : memref<2x16x1024xf32, #tpu.memory_space<vmem>> -> memref<1x16x1024xf32, #tpu.memory_space<vmem>>
      %dma_start3A_59 = tpu.memref_squeeze %dma_start3A_58 : memref<1x16x1024xf32, #tpu.memory_space<vmem>> -> memref<16x1024xf32, #tpu.memory_space<vmem>>
      %dma_start3A_60 = arith.constant 0 : i32
      %dma_start3A_61 = tpu.memref_slice %arg2[%mul3A_48, %dma_start3A_60] : memref<32768x1024xf32, #tpu.memory_space<hbm>> -> memref<16x1024xf32, #tpu.memory_space<hbm>>
      tpu.enqueue_dma source(%dma_start3A_61 : memref<16x1024xf32, #tpu.memory_space<hbm>>) target(%dma_start3A_59 : memref<16x1024xf32, #tpu.memory_space<vmem>>) target_semaphore(%dma_start3A_55 : memref<!tpu.dma_semaphore, #tpu.memory_space<semaphore_mem>>)
      %add3A_62 = arith.constant 0 : i32
      %add3A_63 = arith.constant 1 : i32
      %add3A_64 = arith.addi %add3A_62, %add3A_63 : i32
      %select_n3A_65 = arith.constant true
      %select_n3A_66 = arith.constant 0 : i32
      %select_n3A_67 = arith.select %select_n3A_65, %add3A_64, %select_n3A_66 : i32
      %rem3A_68 = arith.constant 0 : i32
      %rem3A_69 = arith.constant 2 : i32
      %rem3A_70 = arith.remui %rem3A_68, %rem3A_69 : i32
      %div3A_71 = arith.constant 4 : i32
      %div3A_72 = arith.divsi %add3A_13, %div3A_71 : i32
      %mul3A_73 = arith.constant 16 : i32
      %mul3A_74 = arith.muli %mul3A_73, %div3A_72 : i32
      %dma_start3A_75 = arith.constant 0 : i32
      %dma_start3A_76 = arith.constant 0 : i32
      %dma_start3A_77 = tpu.memref_slice %run_scoped3A_8[%rem3A_70, %dma_start3A_75, %dma_start3A_76] : memref<2x16x1024xf32, #tpu.memory_space<vmem>> -> memref<1x16x1024xf32, #tpu.memory_space<vmem>>
      %dma_start3A_78 = tpu.memref_squeeze %dma_start3A_77 : memref<1x16x1024xf32, #tpu.memory_space<vmem>> -> memref<16x1024xf32, #tpu.memory_space<vmem>>
      %dma_start3A_79 = arith.constant 0 : i32
      %dma_start3A_80 = tpu.memref_slice %arg3[%mul3A_74, %dma_start3A_79] : memref<8192x1024xf32, #tpu.memory_space<hbm>> -> memref<16x1024xf32, #tpu.memory_space<hbm>>
      %dma_start3A_81 = tpu.memref_slice %run_scoped3A_9[%rem3A_70] : memref<2x!tpu.dma_semaphore, #tpu.memory_space<semaphore_mem>> -> memref<1x!tpu.dma_semaphore, #tpu.memory_space<semaphore_mem>>
      %dma_start3A_82 = tpu.memref_squeeze %dma_start3A_81 : memref<1x!tpu.dma_semaphore, #tpu.memory_space<semaphore_mem>> -> memref<!tpu.dma_semaphore, #tpu.memory_space<semaphore_mem>>
      %dma_start3A_83 = arith.constant 0 : i32
      %dma_start3A_84 = arith.constant 0 : i32
      %dma_start3A_85 = tpu.memref_slice %run_scoped3A_8[%rem3A_70, %dma_start3A_83, %dma_start3A_84] : memref<2x16x1024xf32, #tpu.memory_space<vmem>> -> memref<1x16x1024xf32, #tpu.memory_space<vmem>>
      %dma_start3A_86 = tpu.memref_squeeze %dma_start3A_85 : memref<1x16x1024xf32, #tpu.memory_space<vmem>> -> memref<16x1024xf32, #tpu.memory_space<vmem>>
      %dma_start3A_87 = arith.constant 0 : i32
      %dma_start3A_88 = tpu.memref_slice %arg3[%mul3A_74, %dma_start3A_87] : memref<8192x1024xf32, #tpu.memory_space<hbm>> -> memref<16x1024xf32, #tpu.memory_space<hbm>>
      tpu.enqueue_dma source(%dma_start3A_88 : memref<16x1024xf32, #tpu.memory_space<hbm>>) target(%dma_start3A_86 : memref<16x1024xf32, #tpu.memory_space<vmem>>) target_semaphore(%dma_start3A_82 : memref<!tpu.dma_semaphore, #tpu.memory_space<semaphore_mem>>)
      %add3A_89 = arith.constant 0 : i32
      %add3A_90 = arith.constant 1 : i32
      %add3A_91 = arith.addi %add3A_89, %add3A_90 : i32
      %select_n3A_92 = arith.constant true
      %select_n3A_93 = arith.constant 0 : i32
      %select_n3A_94 = arith.select %select_n3A_92, %add3A_91, %select_n3A_93 : i32
      "tpu.trace_stop"() : () -> ()
      %scan3A = arith.constant 0 : i32
      %scan3A_95 = arith.constant 0 : i32
      %scan3A_96 = arith.constant 0 : i32
      %scan3A_97 = arith.constant 0 : i32
      %scan3A_98 = arith.constant 0 : i32
      %scan3A_99 = arith.constant 0 : i32
      %scan3A_100 = arith.constant 4 : i32
      %scan3A_101 = arith.addi %scan3A_99, %scan3A_100 : i32
      %scan3A_102 = arith.constant 1 : i32
      %scan3A_103:7 = scf.for %scan3A_163 = %scan3A_99 to %scan3A_101 step %scan3A_102 iter_args(%scan3A_164 = %select_n3A_67, %scan3A_165 = %scan3A, %scan3A_166 = %select_n3A_94, %scan3A_167 = %scan3A_95, %scan3A_168 = %scan3A_96, %scan3A_169 = %scan3A_97, %scan3A_170 = %scan3A_98) -> (i32, i32, i32, i32, i32, i32, i32)  : i32 {
        %eq3A_171 = arith.constant 0 : i32
        %eq3A_172 = arith.cmpi eq, %scan3A_163, %eq3A_171 : i32
        %eq3A_173 = arith.constant 3 : i32
        %eq3A_174 = arith.cmpi eq, %scan3A_163, %eq3A_173 : i32
        %add3A_175 = arith.addi %scan3A_170, %mul3A_6 : i32
        %sub3A_176 = arith.constant 1 : i32
        %sub3A_177 = arith.subi %scan3A_170, %sub3A_176 : i32
        %select_n3A_178 = arith.constant true
        %select_n3A_179 = arith.select %select_n3A_178, %sub3A_177, %scan3A_170 : i32
        %eq3A_180 = arith.constant -1 : i32
        %eq3A_181 = arith.cmpi eq, %select_n3A_179, %eq3A_180 : i32
        %select_n3A_182 = arith.constant 3 : i32
        %select_n3A_183 = arith.select %eq3A_181, %select_n3A_182, %select_n3A_179 : i32
        %add3A_184 = arith.addi %select_n3A_183, %mul3A_6 : i32
        %add3A_185 = arith.constant 1 : i32
        %add3A_186 = arith.addi %scan3A_170, %add3A_185 : i32
        %select_n3A_187 = arith.constant true
        %select_n3A_188 = arith.select %select_n3A_187, %add3A_186, %scan3A_170 : i32
        %eq3A_189 = arith.constant 4 : i32
        %eq3A_190 = arith.cmpi eq, %select_n3A_188, %eq3A_189 : i32
        %select_n3A_191 = arith.constant 0 : i32
        %select_n3A_192 = arith.select %eq3A_190, %select_n3A_191, %select_n3A_188 : i32
        %add3A_193 = arith.addi %select_n3A_192, %mul3A_6 : i32
        %add3A_194 = arith.constant 1 : i32
        %add3A_195 = arith.addi %select_n3A_192, %add3A_194 : i32
        %select_n3A_196 = arith.constant true
        %select_n3A_197 = arith.select %select_n3A_196, %add3A_195, %select_n3A_192 : i32
        %eq3A_198 = arith.constant 4 : i32
        %eq3A_199 = arith.cmpi eq, %select_n3A_197, %eq3A_198 : i32
        %select_n3A_200 = arith.constant 0 : i32
        %select_n3A_201 = arith.select %eq3A_199, %select_n3A_200, %select_n3A_197 : i32
        %add3A_202 = arith.addi %select_n3A_201, %mul3A_6 : i32
        %rem3A_203 = arith.constant 4 : i32
        %rem3A_204 = arith.remsi %add3A_175, %rem3A_203 : i32
        %mul3A_205 = arith.constant 512 : i32
        %mul3A_206 = arith.muli %rem3A_204, %mul3A_205 : i32
        %div3A_207 = arith.constant 4 : i32
        %div3A_208 = arith.divsi %add3A_175, %div3A_207 : i32
        %add3A_209 = arith.addi %mul3A_206, %div3A_208 : i32
        %rem3A_210 = arith.constant 4 : i32
        %rem3A_211 = arith.remsi %add3A_193, %rem3A_210 : i32
        %mul3A_212 = arith.constant 512 : i32
        %mul3A_213 = arith.muli %rem3A_211, %mul3A_212 : i32
        %div3A_214 = arith.constant 4 : i32
        %div3A_215 = arith.divsi %add3A_193, %div3A_214 : i32
        %add3A_216 = arith.addi %mul3A_213, %div3A_215 : i32
        %ne3A = arith.cmpi ne, %add3A_209, %add3A_216 : i32
        %or3A = arith.constant false
        %or3A_217 = arith.ori %or3A, %ne3A : i1
        %or3A_218 = arith.constant false
        %or3A_219 = arith.ori %or3A_217, %or3A_218 : i1
        %ge3A = arith.constant 3 : i32
        %ge3A_220 = arith.cmpi sge, %scan3A_163, %ge3A : i32
        %not3A = arith.constant true
        %not3A_221 = arith.xori %ge3A_220, %not3A : i1
        %and3A = arith.andi %or3A_219, %not3A_221 : i1
        %convert_element_type3A = arith.extui %and3A : i1 to i32
        %cond3A = arith.constant 0 : i32
        %cond3A_222 = arith.cmpi ne, %convert_element_type3A, %cond3A : i32
        scf.if %cond3A_222 {
          "tpu.trace_start"() <{level = 10 : i32, message = "ep_copy_in"}> : () -> ()
          %rem3A_514 = arith.constant 2 : i32
          %rem3A_515 = arith.remui %scan3A_164, %rem3A_514 : i32
          %rem3A_516 = arith.constant 4 : i32
          %rem3A_517 = arith.remsi %add3A_193, %rem3A_516 : i32
          %mul3A_518 = arith.constant 512 : i32
          %mul3A_519 = arith.muli %rem3A_517, %mul3A_518 : i32
          %div3A_520 = arith.constant 4 : i32
          %div3A_521 = arith.divsi %add3A_193, %div3A_520 : i32
          %add3A_522 = arith.addi %mul3A_519, %div3A_521 : i32
          %mul3A_523 = arith.constant 16 : i32
          %mul3A_524 = arith.muli %mul3A_523, %add3A_522 : i32
          %dma_start3A_525 = arith.constant 0 : i32
          %dma_start3A_526 = arith.constant 0 : i32
          %dma_start3A_527 = tpu.memref_slice %run_scoped3A[%rem3A_515, %dma_start3A_525, %dma_start3A_526] : memref<2x16x1024xf32, #tpu.memory_space<vmem>> -> memref<1x16x1024xf32, #tpu.memory_space<vmem>>
          %dma_start3A_528 = tpu.memref_squeeze %dma_start3A_527 : memref<1x16x1024xf32, #tpu.memory_space<vmem>> -> memref<16x1024xf32, #tpu.memory_space<vmem>>
          %dma_start3A_529 = arith.constant 0 : i32
          %dma_start3A_530 = tpu.memref_slice %arg2[%mul3A_524, %dma_start3A_529] : memref<32768x1024xf32, #tpu.memory_space<hbm>> -> memref<16x1024xf32, #tpu.memory_space<hbm>>
          %dma_start3A_531 = tpu.memref_slice %run_scoped3A_7[%rem3A_515] : memref<2x!tpu.dma_semaphore, #tpu.memory_space<semaphore_mem>> -> memref<1x!tpu.dma_semaphore, #tpu.memory_space<semaphore_mem>>
          %dma_start3A_532 = tpu.memref_squeeze %dma_start3A_531 : memref<1x!tpu.dma_semaphore, #tpu.memory_space<semaphore_mem>> -> memref<!tpu.dma_semaphore, #tpu.memory_space<semaphore_mem>>
          %dma_start3A_533 = arith.constant 0 : i32
          %dma_start3A_534 = arith.constant 0 : i32
          %dma_start3A_535 = tpu.memref_slice %run_scoped3A[%rem3A_515, %dma_start3A_533, %dma_start3A_534] : memref<2x16x1024xf32, #tpu.memory_space<vmem>> -> memref<1x16x1024xf32, #tpu.memory_space<vmem>>
          %dma_start3A_536 = tpu.memref_squeeze %dma_start3A_535 : memref<1x16x1024xf32, #tpu.memory_space<vmem>> -> memref<16x1024xf32, #tpu.memory_space<vmem>>
          %dma_start3A_537 = arith.constant 0 : i32
          %dma_start3A_538 = tpu.memref_slice %arg2[%mul3A_524, %dma_start3A_537] : memref<32768x1024xf32, #tpu.memory_space<hbm>> -> memref<16x1024xf32, #tpu.memory_space<hbm>>
          tpu.enqueue_dma source(%dma_start3A_538 : memref<16x1024xf32, #tpu.memory_space<hbm>>) target(%dma_start3A_536 : memref<16x1024xf32, #tpu.memory_space<vmem>>) target_semaphore(%dma_start3A_532 : memref<!tpu.dma_semaphore, #tpu.memory_space<semaphore_mem>>)
          "tpu.trace_stop"() : () -> ()
        } else {
        }
        %and3A_223 = arith.constant true
        %and3A_224 = arith.andi %and3A, %and3A_223 : i1
        %add3A_225 = arith.constant 1 : i32
        %add3A_226 = arith.addi %scan3A_164, %add3A_225 : i32
        %select_n3A_227 = arith.select %and3A_224, %add3A_226, %scan3A_164 : i32
        %div3A_228 = arith.constant 4 : i32
        %div3A_229 = arith.divsi %add3A_175, %div3A_228 : i32
        %div3A_230 = arith.constant 4 : i32
        %div3A_231 = arith.divsi %add3A_193, %div3A_230 : i32
        %ne3A_232 = arith.cmpi ne, %div3A_229, %div3A_231 : i32
        %or3A_233 = arith.constant false
        %or3A_234 = arith.ori %or3A_233, %ne3A_232 : i1
        %or3A_235 = arith.constant false
        %or3A_236 = arith.ori %or3A_234, %or3A_235 : i1
        %ge3A_237 = arith.constant 3 : i32
        %ge3A_238 = arith.cmpi sge, %scan3A_163, %ge3A_237 : i32
        %not3A_239 = arith.constant true
        %not3A_240 = arith.xori %ge3A_238, %not3A_239 : i1
        %and3A_241 = arith.andi %or3A_236, %not3A_240 : i1
        %convert_element_type3A_242 = arith.extui %and3A_241 : i1 to i32
        %cond3A_243 = arith.constant 0 : i32
        %cond3A_244 = arith.cmpi ne, %convert_element_type3A_242, %cond3A_243 : i32
        scf.if %cond3A_244 {
          "tpu.trace_start"() <{level = 10 : i32, message = "ep_copy_in"}> : () -> ()
          %rem3A_514 = arith.constant 2 : i32
          %rem3A_515 = arith.remui %scan3A_166, %rem3A_514 : i32
          %div3A_516 = arith.constant 4 : i32
          %div3A_517 = arith.divsi %add3A_193, %div3A_516 : i32
          %mul3A_518 = arith.constant 16 : i32
          %mul3A_519 = arith.muli %mul3A_518, %div3A_517 : i32
          %dma_start3A_520 = arith.constant 0 : i32
          %dma_start3A_521 = arith.constant 0 : i32
          %dma_start3A_522 = tpu.memref_slice %run_scoped3A_8[%rem3A_515, %dma_start3A_520, %dma_start3A_521] : memref<2x16x1024xf32, #tpu.memory_space<vmem>> -> memref<1x16x1024xf32, #tpu.memory_space<vmem>>
          %dma_start3A_523 = tpu.memref_squeeze %dma_start3A_522 : memref<1x16x1024xf32, #tpu.memory_space<vmem>> -> memref<16x1024xf32, #tpu.memory_space<vmem>>
          %dma_start3A_524 = arith.constant 0 : i32
          %dma_start3A_525 = tpu.memref_slice %arg3[%mul3A_519, %dma_start3A_524] : memref<8192x1024xf32, #tpu.memory_space<hbm>> -> memref<16x1024xf32, #tpu.memory_space<hbm>>
          %dma_start3A_526 = tpu.memref_slice %run_scoped3A_9[%rem3A_515] : memref<2x!tpu.dma_semaphore, #tpu.memory_space<semaphore_mem>> -> memref<1x!tpu.dma_semaphore, #tpu.memory_space<semaphore_mem>>
          %dma_start3A_527 = tpu.memref_squeeze %dma_start3A_526 : memref<1x!tpu.dma_semaphore, #tpu.memory_space<semaphore_mem>> -> memref<!tpu.dma_semaphore, #tpu.memory_space<semaphore_mem>>
          %dma_start3A_528 = arith.constant 0 : i32
          %dma_start3A_529 = arith.constant 0 : i32
          %dma_start3A_530 = tpu.memref_slice %run_scoped3A_8[%rem3A_515, %dma_start3A_528, %dma_start3A_529] : memref<2x16x1024xf32, #tpu.memory_space<vmem>> -> memref<1x16x1024xf32, #tpu.memory_space<vmem>>
          %dma_start3A_531 = tpu.memref_squeeze %dma_start3A_530 : memref<1x16x1024xf32, #tpu.memory_space<vmem>> -> memref<16x1024xf32, #tpu.memory_space<vmem>>
          %dma_start3A_532 = arith.constant 0 : i32
          %dma_start3A_533 = tpu.memref_slice %arg3[%mul3A_519, %dma_start3A_532] : memref<8192x1024xf32, #tpu.memory_space<hbm>> -> memref<16x1024xf32, #tpu.memory_space<hbm>>
          tpu.enqueue_dma source(%dma_start3A_533 : memref<16x1024xf32, #tpu.memory_space<hbm>>) target(%dma_start3A_531 : memref<16x1024xf32, #tpu.memory_space<vmem>>) target_semaphore(%dma_start3A_527 : memref<!tpu.dma_semaphore, #tpu.memory_space<semaphore_mem>>)
          "tpu.trace_stop"() : () -> ()
        } else {
        }
        %and3A_245 = arith.constant true
        %and3A_246 = arith.andi %and3A_241, %and3A_245 : i1
        %add3A_247 = arith.constant 1 : i32
        %add3A_248 = arith.addi %scan3A_166, %add3A_247 : i32
        %select_n3A_249 = arith.select %and3A_246, %add3A_248, %scan3A_166 : i32
        %rem3A_250 = arith.constant 4 : i32
        %rem3A_251 = arith.remsi %add3A_175, %rem3A_250 : i32
        %div3A_252 = arith.constant 4 : i32
        %div3A_253 = arith.divsi %add3A_175, %div3A_252 : i32
        %rem3A_254 = arith.constant 4 : i32
        %rem3A_255 = arith.remsi %add3A_193, %rem3A_254 : i32
        %div3A_256 = arith.constant 4 : i32
        %div3A_257 = arith.divsi %add3A_193, %div3A_256 : i32
        %ne3A_258 = arith.cmpi ne, %rem3A_251, %rem3A_255 : i32
        %ne3A_259 = arith.cmpi ne, %div3A_253, %div3A_257 : i32
        %or3A_260 = arith.constant false
        %or3A_261 = arith.ori %or3A_260, %ne3A_258 : i1
        %or3A_262 = arith.ori %or3A_261, %ne3A_259 : i1
        %or3A_263 = arith.constant false
        %or3A_264 = arith.ori %or3A_262, %or3A_263 : i1
        %ge3A_265 = arith.constant 3 : i32
        %ge3A_266 = arith.cmpi sge, %scan3A_163, %ge3A_265 : i32
        %not3A_267 = arith.constant true
        %not3A_268 = arith.xori %ge3A_266, %not3A_267 : i1
        %and3A_269 = arith.andi %or3A_264, %not3A_268 : i1
        %rem3A_270 = arith.constant 4 : i32
        %rem3A_271 = arith.remsi %add3A_175, %rem3A_270 : i32
        %mul3A_272 = arith.constant 512 : i32
        %mul3A_273 = arith.muli %rem3A_271, %mul3A_272 : i32
        %div3A_274 = arith.constant 4 : i32
        %div3A_275 = arith.divsi %add3A_175, %div3A_274 : i32
        %add3A_276 = arith.addi %mul3A_273, %div3A_275 : i32
        %rem3A_277 = arith.constant 4 : i32
        %rem3A_278 = arith.remsi %add3A_184, %rem3A_277 : i32
        %mul3A_279 = arith.constant 512 : i32
        %mul3A_280 = arith.muli %rem3A_278, %mul3A_279 : i32
        %div3A_281 = arith.constant 4 : i32
        %div3A_282 = arith.divsi %add3A_184, %div3A_281 : i32
        %add3A_283 = arith.addi %mul3A_280, %div3A_282 : i32
        %ne3A_284 = arith.cmpi ne, %add3A_276, %add3A_283 : i32
        %or3A_285 = arith.constant false
        %or3A_286 = arith.ori %or3A_285, %ne3A_284 : i1
        %or3A_287 = arith.constant false
        %or3A_288 = arith.ori %or3A_286, %or3A_287 : i1
        %or3A_289 = arith.ori %or3A_288, %eq3A_172 : i1
        %convert_element_type3A_290 = arith.extui %or3A_289 : i1 to i32
        %cond3A_291 = arith.constant 0 : i32
        %cond3A_292 = arith.cmpi ne, %convert_element_type3A_290, %cond3A_291 : i32
        scf.if %cond3A_292 {
          "tpu.trace_start"() <{level = 10 : i32, message = "ep_wait_in"}> : () -> ()
          %rem3A_514 = arith.constant 4 : i32
          %rem3A_515 = arith.remsi %add3A_175, %rem3A_514 : i32
          %mul3A_516 = arith.constant 512 : i32
          %mul3A_517 = arith.muli %rem3A_515, %mul3A_516 : i32
          %div3A_518 = arith.constant 4 : i32
          %div3A_519 = arith.divsi %add3A_175, %div3A_518 : i32
          %add3A_520 = arith.addi %mul3A_517, %div3A_519 : i32
          %mul3A_521 = arith.constant 16 : i32
          %mul3A_522 = arith.muli %mul3A_521, %add3A_520 : i32
          %rem3A_523 = arith.constant 2 : i32
          %rem3A_524 = arith.remui %scan3A_165, %rem3A_523 : i32
          %dma_wait3A_525 = arith.constant 0 : i32
          %dma_wait3A_526 = arith.constant 0 : i32
          %dma_wait3A_527 = tpu.memref_slice %run_scoped3A[%rem3A_524, %dma_wait3A_525, %dma_wait3A_526] : memref<2x16x1024xf32, #tpu.memory_space<vmem>> -> memref<1x16x1024xf32, #tpu.memory_space<vmem>>
          %dma_wait3A_528 = tpu.memref_squeeze %dma_wait3A_527 : memref<1x16x1024xf32, #tpu.memory_space<vmem>> -> memref<16x1024xf32, #tpu.memory_space<vmem>>
          %dma_wait3A_529 = arith.constant 0 : i32
          %dma_wait3A_530 = tpu.memref_slice %arg2[%mul3A_522, %dma_wait3A_529] : memref<32768x1024xf32, #tpu.memory_space<hbm>> -> memref<16x1024xf32, #tpu.memory_space<hbm>>
          %dma_wait3A_531 = tpu.memref_slice %run_scoped3A_7[%rem3A_524] : memref<2x!tpu.dma_semaphore, #tpu.memory_space<semaphore_mem>> -> memref<1x!tpu.dma_semaphore, #tpu.memory_space<semaphore_mem>>
          %dma_wait3A_532 = tpu.memref_squeeze %dma_wait3A_531 : memref<1x!tpu.dma_semaphore, #tpu.memory_space<semaphore_mem>> -> memref<!tpu.dma_semaphore, #tpu.memory_space<semaphore_mem>>
          %dma_wait3A_533 = arith.constant 0 : i32
          %dma_wait3A_534 = arith.constant 0 : i32
          %dma_wait3A_535 = tpu.memref_slice %run_scoped3A[%rem3A_524, %dma_wait3A_533, %dma_wait3A_534] : memref<2x16x1024xf32, #tpu.memory_space<vmem>> -> memref<1x16x1024xf32, #tpu.memory_space<vmem>>
          %dma_wait3A_536 = tpu.memref_squeeze %dma_wait3A_535 : memref<1x16x1024xf32, #tpu.memory_space<vmem>> -> memref<16x1024xf32, #tpu.memory_space<vmem>>
          %dma_wait3A_537 = arith.constant 0 : i32
          %dma_wait3A_538 = tpu.memref_slice %arg2[%mul3A_522, %dma_wait3A_537] : memref<32768x1024xf32, #tpu.memory_space<hbm>> -> memref<16x1024xf32, #tpu.memory_space<hbm>>
          tpu.wait_dma2 semaphore(%dma_wait3A_532 : memref<!tpu.dma_semaphore, #tpu.memory_space<semaphore_mem>>) src(%dma_wait3A_538 : memref<16x1024xf32, #tpu.memory_space<hbm>>) dst(%dma_wait3A_536 : memref<16x1024xf32, #tpu.memory_space<vmem>>)
          "tpu.trace_stop"() : () -> ()
        } else {
        }
        %div3A_293 = arith.constant 4 : i32
        %div3A_294 = arith.divsi %add3A_175, %div3A_293 : i32
        %div3A_295 = arith.constant 4 : i32
        %div3A_296 = arith.divsi %add3A_184, %div3A_295 : i32
        %ne3A_297 = arith.cmpi ne, %div3A_294, %div3A_296 : i32
        %or3A_298 = arith.constant false
        %or3A_299 = arith.ori %or3A_298, %ne3A_297 : i1
        %or3A_300 = arith.constant false
        %or3A_301 = arith.ori %or3A_299, %or3A_300 : i1
        %or3A_302 = arith.ori %or3A_301, %eq3A_172 : i1
        %convert_element_type3A_303 = arith.extui %or3A_302 : i1 to i32
        %cond3A_304 = arith.constant 0 : i32
        %cond3A_305 = arith.cmpi ne, %convert_element_type3A_303, %cond3A_304 : i32
        scf.if %cond3A_305 {
          "tpu.trace_start"() <{level = 10 : i32, message = "ep_wait_in"}> : () -> ()
          %div3A_514 = arith.constant 4 : i32
          %div3A_515 = arith.divsi %add3A_175, %div3A_514 : i32
          %mul3A_516 = arith.constant 16 : i32
          %mul3A_517 = arith.muli %mul3A_516, %div3A_515 : i32
          %rem3A_518 = arith.constant 2 : i32
          %rem3A_519 = arith.remui %scan3A_167, %rem3A_518 : i32
          %dma_wait3A_520 = arith.constant 0 : i32
          %dma_wait3A_521 = arith.constant 0 : i32
          %dma_wait3A_522 = tpu.memref_slice %run_scoped3A_8[%rem3A_519, %dma_wait3A_520, %dma_wait3A_521] : memref<2x16x1024xf32, #tpu.memory_space<vmem>> -> memref<1x16x1024xf32, #tpu.memory_space<vmem>>
          %dma_wait3A_523 = tpu.memref_squeeze %dma_wait3A_522 : memref<1x16x1024xf32, #tpu.memory_space<vmem>> -> memref<16x1024xf32, #tpu.memory_space<vmem>>
          %dma_wait3A_524 = arith.constant 0 : i32
          %dma_wait3A_525 = tpu.memref_slice %arg3[%mul3A_517, %dma_wait3A_524] : memref<8192x1024xf32, #tpu.memory_space<hbm>> -> memref<16x1024xf32, #tpu.memory_space<hbm>>
          %dma_wait3A_526 = tpu.memref_slice %run_scoped3A_9[%rem3A_519] : memref<2x!tpu.dma_semaphore, #tpu.memory_space<semaphore_mem>> -> memref<1x!tpu.dma_semaphore, #tpu.memory_space<semaphore_mem>>
          %dma_wait3A_527 = tpu.memref_squeeze %dma_wait3A_526 : memref<1x!tpu.dma_semaphore, #tpu.memory_space<semaphore_mem>> -> memref<!tpu.dma_semaphore, #tpu.memory_space<semaphore_mem>>
          %dma_wait3A_528 = arith.constant 0 : i32
          %dma_wait3A_529 = arith.constant 0 : i32
          %dma_wait3A_530 = tpu.memref_slice %run_scoped3A_8[%rem3A_519, %dma_wait3A_528, %dma_wait3A_529] : memref<2x16x1024xf32, #tpu.memory_space<vmem>> -> memref<1x16x1024xf32, #tpu.memory_space<vmem>>
          %dma_wait3A_531 = tpu.memref_squeeze %dma_wait3A_530 : memref<1x16x1024xf32, #tpu.memory_space<vmem>> -> memref<16x1024xf32, #tpu.memory_space<vmem>>
          %dma_wait3A_532 = arith.constant 0 : i32
          %dma_wait3A_533 = tpu.memref_slice %arg3[%mul3A_517, %dma_wait3A_532] : memref<8192x1024xf32, #tpu.memory_space<hbm>> -> memref<16x1024xf32, #tpu.memory_space<hbm>>
          tpu.wait_dma2 semaphore(%dma_wait3A_527 : memref<!tpu.dma_semaphore, #tpu.memory_space<semaphore_mem>>) src(%dma_wait3A_533 : memref<16x1024xf32, #tpu.memory_space<hbm>>) dst(%dma_wait3A_531 : memref<16x1024xf32, #tpu.memory_space<vmem>>)
          "tpu.trace_stop"() : () -> ()
        } else {
        }
        %rem3A_306 = arith.constant 4 : i32
        %rem3A_307 = arith.remsi %add3A_175, %rem3A_306 : i32
        %div3A_308 = arith.constant 4 : i32
        %div3A_309 = arith.divsi %add3A_175, %div3A_308 : i32
        %rem3A_310 = arith.constant 4 : i32
        %rem3A_311 = arith.remsi %add3A_184, %rem3A_310 : i32
        %div3A_312 = arith.constant 4 : i32
        %div3A_313 = arith.divsi %add3A_184, %div3A_312 : i32
        %ne3A_314 = arith.cmpi ne, %rem3A_307, %rem3A_311 : i32
        %ne3A_315 = arith.cmpi ne, %div3A_309, %div3A_313 : i32
        %or3A_316 = arith.constant false
        %or3A_317 = arith.ori %or3A_316, %ne3A_314 : i1
        %or3A_318 = arith.ori %or3A_317, %ne3A_315 : i1
        %or3A_319 = arith.constant false
        %or3A_320 = arith.ori %or3A_318, %or3A_319 : i1
        %or3A_321 = arith.ori %or3A_320, %eq3A_172 : i1
        %convert_element_type3A_322 = arith.extui %or3A_321 : i1 to i32
        %cond3A_323 = arith.constant 0 : i32
        %cond3A_324 = arith.cmpi ne, %convert_element_type3A_322, %cond3A_323 : i32
        scf.if %cond3A_324 {
        } else {
        }
        %rem3A_325 = arith.constant 2 : i32
        %rem3A_326 = arith.remui %scan3A_165, %rem3A_325 : i32
        %rem3A_327 = arith.constant 2 : i32
        %rem3A_328 = arith.remui %scan3A_167, %rem3A_327 : i32
        %rem3A_329 = arith.constant 2 : i32
        %rem3A_330 = arith.remui %scan3A_168, %rem3A_329 : i32
        "tpu.trace_start"() <{level = 10 : i32, message = "ep_run_kernel"}> : () -> ()
        %scan3A_331 = arith.constant 0 : i32
        %scan3A_332 = arith.constant 16 : i32
        %scan3A_333 = arith.addi %scan3A_331, %scan3A_332 : i32
        %scan3A_334 = arith.constant 1 : i32
        scf.for %scan3A_514 = %scan3A_331 to %scan3A_333 step %scan3A_334  : i32 {
          %mul3A_515 = arith.constant 1 : i32
          %mul3A_516 = arith.muli %scan3A_514, %mul3A_515 : i32
          %add3A_517 = arith.constant 0 : i32
          %add3A_518 = arith.addi %add3A_517, %mul3A_516 : i32
          %scan3A_519 = arith.constant 0 : i32
          %scan3A_520 = arith.constant 64 : i32
          %scan3A_521 = arith.addi %scan3A_519, %scan3A_520 : i32
          %scan3A_522 = arith.constant 8 : i32
          scf.for %scan3A_524 = %scan3A_519 to %scan3A_521 step %scan3A_522  : i32 {
            %mul3A_525 = arith.constant 16 : i32
            %mul3A_526 = arith.muli %scan3A_524, %mul3A_525 : i32
            %add3A_527 = arith.constant 0 : i32
            %add3A_528 = arith.addi %add3A_527, %mul3A_526 : i32
            %get3A = arith.constant 0 : i32
            %get3A_529 = arith.constant 0 : i32
            %get3A_530 = tpu.memref_slice %run_scoped3A[%rem3A_326, %get3A, %get3A_529] : memref<2x16x1024xf32, #tpu.memory_space<vmem>> -> memref<1x16x1024xf32, #tpu.memory_space<vmem>>
            %get3A_531 = tpu.memref_squeeze %get3A_530 : memref<1x16x1024xf32, #tpu.memory_space<vmem>> -> memref<16x1024xf32, #tpu.memory_space<vmem>>
            %get3A_532 = arith.index_cast %add3A_518 : i32 to index
            %get3A_533 = arith.index_cast %add3A_528 : i32 to index
            %get3A_534 = tpu.vector_load %get3A_531[%get3A_532, %get3A_533] {strides = array<i32>} : memref<16x1024xf32, #tpu.memory_space<vmem>>, vector<1x16xf32>,
            %get3A_535 = vector.shape_cast %get3A_534 : vector<1x16xf32> to vector<1x16xf32>
            %get3A_536 = arith.constant 0 : i32
            %get3A_537 = arith.constant 0 : i32
            %get3A_538 = tpu.memref_slice %run_scoped3A_8[%rem3A_328, %get3A_536, %get3A_537] : memref<2x16x1024xf32, #tpu.memory_space<vmem>> -> memref<1x16x1024xf32, #tpu.memory_space<vmem>>
            %get3A_539 = tpu.memref_squeeze %get3A_538 : memref<1x16x1024xf32, #tpu.memory_space<vmem>> -> memref<16x1024xf32, #tpu.memory_space<vmem>>
            %get3A_540 = arith.index_cast %add3A_518 : i32 to index
            %get3A_541 = arith.index_cast %add3A_528 : i32 to index
            %get3A_542 = tpu.vector_load %get3A_539[%get3A_540, %get3A_541] {strides = array<i32>} : memref<16x1024xf32, #tpu.memory_space<vmem>>, vector<1x16xf32>,
            %get3A_543 = vector.shape_cast %get3A_542 : vector<1x16xf32> to vector<1x16xf32>
            %add3A_544 = arith.addf %get3A_535, %get3A_543 : vector<1x16xf32>
            %swap3A = arith.constant 0 : i32
            %swap3A_545 = arith.constant 0 : i32
            %swap3A_546 = tpu.memref_slice %run_scoped3A_10[%rem3A_330, %swap3A, %swap3A_545] : memref<2x16x1024xf32, #tpu.memory_space<vmem>> -> memref<1x16x1024xf32, #tpu.memory_space<vmem>>
            %swap3A_547 = tpu.memref_squeeze %swap3A_546 : memref<1x16x1024xf32, #tpu.memory_space<vmem>> -> memref<16x1024xf32, #tpu.memory_space<vmem>>
            %swap3A_548 = arith.index_cast %add3A_518 : i32 to index
            %swap3A_549 = arith.index_cast %add3A_528 : i32 to index
            %swap3A_550 = tpu.vector_load %swap3A_547[%swap3A_548, %swap3A_549] {strides = array<i32>} : memref<16x1024xf32, #tpu.memory_space<vmem>>, vector<1x16xf32>,
            %swap3A_551 = vector.shape_cast %swap3A_550 : vector<1x16xf32> to vector<1x16xf32>
            %swap3A_552 = vector.shape_cast %add3A_544 : vector<1x16xf32> to vector<1x16xf32>
            tpu.vector_store %swap3A_547[%swap3A_548, %swap3A_549], %swap3A_552 {strides = array<i32>} : memref<16x1024xf32, #tpu.memory_space<vmem>>, vector<1x16xf32>,
            %scan3A_553 = arith.constant 1 : i32
            %scan3A_554 = arith.addi %scan3A_524, %scan3A_553 : i32
            %mul3A_555 = arith.constant 16 : i32
            %mul3A_556 = arith.muli %scan3A_554, %mul3A_555 : i32
            %add3A_557 = arith.constant 0 : i32
            %add3A_558 = arith.addi %add3A_557, %mul3A_556 : i32
            %get3A_559 = arith.constant 0 : i32
            %get3A_560 = arith.constant 0 : i32
            %get3A_561 = tpu.memref_slice %run_scoped3A[%rem3A_326, %get3A_559, %get3A_560] : memref<2x16x1024xf32, #tpu.memory_space<vmem>> -> memref<1x16x1024xf32, #tpu.memory_space<vmem>>
            %get3A_562 = tpu.memref_squeeze %get3A_561 : memref<1x16x1024xf32, #tpu.memory_space<vmem>> -> memref<16x1024xf32, #tpu.memory_space<vmem>>
            %get3A_563 = arith.index_cast %add3A_518 : i32 to index
            %get3A_564 = arith.index_cast %add3A_558 : i32 to index
            %get3A_565 = tpu.vector_load %get3A_562[%get3A_563, %get3A_564] {strides = array<i32>} : memref<16x1024xf32, #tpu.memory_space<vmem>>, vector<1x16xf32>,
            %get3A_566 = vector.shape_cast %get3A_565 : vector<1x16xf32> to vector<1x16xf32>
            %get3A_567 = arith.constant 0 : i32
            %get3A_568 = arith.constant 0 : i32
            %get3A_569 = tpu.memref_slice %run_scoped3A_8[%rem3A_328, %get3A_567, %get3A_568] : memref<2x16x1024xf32, #tpu.memory_space<vmem>> -> memref<1x16x1024xf32, #tpu.memory_space<vmem>>
            %get3A_570 = tpu.memref_squeeze %get3A_569 : memref<1x16x1024xf32, #tpu.memory_space<vmem>> -> memref<16x1024xf32, #tpu.memory_space<vmem>>
            %get3A_571 = arith.index_cast %add3A_518 : i32 to index
            %get3A_572 = arith.index_cast %add3A_558 : i32 to index
            %get3A_573 = tpu.vector_load %get3A_570[%get3A_571, %get3A_572] {strides = array<i32>} : memref<16x1024xf32, #tpu.memory_space<vmem>>, vector<1x16xf32>,
            %get3A_574 = vector.shape_cast %get3A_573 : vector<1x16xf32> to vector<1x16xf32>
            %add3A_575 = arith.addf %get3A_566, %get3A_574 : vector<1x16xf32>
            %swap3A_576 = arith.constant 0 : i32
            %swap3A_577 = arith.constant 0 : i32
            %swap3A_578 = tpu.memref_slice %run_scoped3A_10[%rem3A_330, %swap3A_576, %swap3A_577] : memref<2x16x1024xf32, #tpu.memory_space<vmem>> -> memref<1x16x1024xf32, #tpu.memory_space<vmem>>
            %swap3A_579 = tpu.memref_squeeze %swap3A_578 : memref<1x16x1024xf32, #tpu.memory_space<vmem>> -> memref<16x1024xf32, #tpu.memory_space<vmem>>
            %swap3A_580 = arith.index_cast %add3A_518 : i32 to index
            %swap3A_581 = arith.index_cast %add3A_558 : i32 to index
            %swap3A_582 = tpu.vector_load %swap3A_579[%swap3A_580, %swap3A_581] {strides = array<i32>} : memref<16x1024xf32, #tpu.memory_space<vmem>>, vector<1x16xf32>,
            %swap3A_583 = vector.shape_cast %swap3A_582 : vector<1x16xf32> to vector<1x16xf32>
            %swap3A_584 = vector.shape_cast %add3A_575 : vector<1x16xf32> to vector<1x16xf32>
            tpu.vector_store %swap3A_579[%swap3A_580, %swap3A_581], %swap3A_584 {strides = array<i32>} : memref<16x1024xf32, #tpu.memory_space<vmem>>, vector<1x16xf32>,
            %scan3A_585 = arith.constant 2 : i32
            %scan3A_586 = arith.addi %scan3A_524, %scan3A_585 : i32
            %mul3A_587 = arith.constant 16 : i32
            %mul3A_588 = arith.muli %scan3A_586, %mul3A_587 : i32
            %add3A_589 = arith.constant 0 : i32
            %add3A_590 = arith.addi %add3A_589, %mul3A_588 : i32
            %get3A_591 = arith.constant 0 : i32
            %get3A_592 = arith.constant 0 : i32
            %get3A_593 = tpu.memref_slice %run_scoped3A[%rem3A_326, %get3A_591, %get3A_592] : memref<2x16x1024xf32, #tpu.memory_space<vmem>> -> memref<1x16x1024xf32, #tpu.memory_space<vmem>>
            %get3A_594 = tpu.memref_squeeze %get3A_593 : memref<1x16x1024xf32, #tpu.memory_space<vmem>> -> memref<16x1024xf32, #tpu.memory_space<vmem>>
            %get3A_595 = arith.index_cast %add3A_518 : i32 to index
            %get3A_596 = arith.index_cast %add3A_590 : i32 to index
            %get3A_597 = tpu.vector_load %get3A_594[%get3A_595, %get3A_596] {strides = array<i32>} : memref<16x1024xf32, #tpu.memory_space<vmem>>, vector<1x16xf32>,
            %get3A_598 = vector.shape_cast %get3A_597 : vector<1x16xf32> to vector<1x16xf32>
            %get3A_599 = arith.constant 0 : i32
            %get3A_600 = arith.constant 0 : i32
            %get3A_601 = tpu.memref_slice %run_scoped3A_8[%rem3A_328, %get3A_599, %get3A_600] : memref<2x16x1024xf32, #tpu.memory_space<vmem>> -> memref<1x16x1024xf32, #tpu.memory_space<vmem>>
            %get3A_602 = tpu.memref_squeeze %get3A_601 : memref<1x16x1024xf32, #tpu.memory_space<vmem>> -> memref<16x1024xf32, #tpu.memory_space<vmem>>
            %get3A_603 = arith.index_cast %add3A_518 : i32 to index
            %get3A_604 = arith.index_cast %add3A_590 : i32 to index
            %get3A_605 = tpu.vector_load %get3A_602[%get3A_603, %get3A_604] {strides = array<i32>} : memref<16x1024xf32, #tpu.memory_space<vmem>>, vector<1x16xf32>,
            %get3A_606 = vector.shape_cast %get3A_605 : vector<1x16xf32> to vector<1x16xf32>
            %add3A_607 = arith.addf %get3A_598, %get3A_606 : vector<1x16xf32>
            %swap3A_608 = arith.constant 0 : i32
            %swap3A_609 = arith.constant 0 : i32
            %swap3A_610 = tpu.memref_slice %run_scoped3A_10[%rem3A_330, %swap3A_608, %swap3A_609] : memref<2x16x1024xf32, #tpu.memory_space<vmem>> -> memref<1x16x1024xf32, #tpu.memory_space<vmem>>
            %swap3A_611 = tpu.memref_squeeze %swap3A_610 : memref<1x16x1024xf32, #tpu.memory_space<vmem>> -> memref<16x1024xf32, #tpu.memory_space<vmem>>
            %swap3A_612 = arith.index_cast %add3A_518 : i32 to index
            %swap3A_613 = arith.index_cast %add3A_590 : i32 to index
            %swap3A_614 = tpu.vector_load %swap3A_611[%swap3A_612, %swap3A_613] {strides = array<i32>} : memref<16x1024xf32, #tpu.memory_space<vmem>>, vector<1x16xf32>,
            %swap3A_615 = vector.shape_cast %swap3A_614 : vector<1x16xf32> to vector<1x16xf32>
            %swap3A_616 = vector.shape_cast %add3A_607 : vector<1x16xf32> to vector<1x16xf32>
            tpu.vector_store %swap3A_611[%swap3A_612, %swap3A_613], %swap3A_616 {strides = array<i32>} : memref<16x1024xf32, #tpu.memory_space<vmem>>, vector<1x16xf32>,
            %scan3A_617 = arith.constant 3 : i32
            %scan3A_618 = arith.addi %scan3A_524, %scan3A_617 : i32
            %mul3A_619 = arith.constant 16 : i32
            %mul3A_620 = arith.muli %scan3A_618, %mul3A_619 : i32
            %add3A_621 = arith.constant 0 : i32
            %add3A_622 = arith.addi %add3A_621, %mul3A_620 : i32
            %get3A_623 = arith.constant 0 : i32
            %get3A_624 = arith.constant 0 : i32
            %get3A_625 = tpu.memref_slice %run_scoped3A[%rem3A_326, %get3A_623, %get3A_624] : memref<2x16x1024xf32, #tpu.memory_space<vmem>> -> memref<1x16x1024xf32, #tpu.memory_space<vmem>>
            %get3A_626 = tpu.memref_squeeze %get3A_625 : memref<1x16x1024xf32, #tpu.memory_space<vmem>> -> memref<16x1024xf32, #tpu.memory_space<vmem>>
            %get3A_627 = arith.index_cast %add3A_518 : i32 to index
            %get3A_628 = arith.index_cast %add3A_622 : i32 to index
            %get3A_629 = tpu.vector_load %get3A_626[%get3A_627, %get3A_628] {strides = array<i32>} : memref<16x1024xf32, #tpu.memory_space<vmem>>, vector<1x16xf32>,
            %get3A_630 = vector.shape_cast %get3A_629 : vector<1x16xf32> to vector<1x16xf32>
            %get3A_631 = arith.constant 0 : i32
            %get3A_632 = arith.constant 0 : i32
            %get3A_633 = tpu.memref_slice %run_scoped3A_8[%rem3A_328, %get3A_631, %get3A_632] : memref<2x16x1024xf32, #tpu.memory_space<vmem>> -> memref<1x16x1024xf32, #tpu.memory_space<vmem>>
            %get3A_634 = tpu.memref_squeeze %get3A_633 : memref<1x16x1024xf32, #tpu.memory_space<vmem>> -> memref<16x1024xf32, #tpu.memory_space<vmem>>
            %get3A_635 = arith.index_cast %add3A_518 : i32 to index
            %get3A_636 = arith.index_cast %add3A_622 : i32 to index
            %get3A_637 = tpu.vector_load %get3A_634[%get3A_635, %get3A_636] {strides = array<i32>} : memref<16x1024xf32, #tpu.memory_space<vmem>>, vector<1x16xf32>,
            %get3A_638 = vector.shape_cast %get3A_637 : vector<1x16xf32> to vector<1x16xf32>
            %add3A_639 = arith.addf %get3A_630, %get3A_638 : vector<1x16xf32>
            %swap3A_640 = arith.constant 0 : i32
            %swap3A_641 = arith.constant 0 : i32
            %swap3A_642 = tpu.memref_slice %run_scoped3A_10[%rem3A_330, %swap3A_640, %swap3A_641] : memref<2x16x1024xf32, #tpu.memory_space<vmem>> -> memref<1x16x1024xf32, #tpu.memory_space<vmem>>
            %swap3A_643 = tpu.memref_squeeze %swap3A_642 : memref<1x16x1024xf32, #tpu.memory_space<vmem>> -> memref<16x1024xf32, #tpu.memory_space<vmem>>
            %swap3A_644 = arith.index_cast %add3A_518 : i32 to index
            %swap3A_645 = arith.index_cast %add3A_622 : i32 to index
            %swap3A_646 = tpu.vector_load %swap3A_643[%swap3A_644, %swap3A_645] {strides = array<i32>} : memref<16x1024xf32, #tpu.memory_space<vmem>>, vector<1x16xf32>,
            %swap3A_647 = vector.shape_cast %swap3A_646 : vector<1x16xf32> to vector<1x16xf32>
            %swap3A_648 = vector.shape_cast %add3A_639 : vector<1x16xf32> to vector<1x16xf32>
            tpu.vector_store %swap3A_643[%swap3A_644, %swap3A_645], %swap3A_648 {strides = array<i32>} : memref<16x1024xf32, #tpu.memory_space<vmem>>, vector<1x16xf32>,
            %scan3A_649 = arith.constant 4 : i32
            %scan3A_650 = arith.addi %scan3A_524, %scan3A_649 : i32
            %mul3A_651 = arith.constant 16 : i32
            %mul3A_652 = arith.muli %scan3A_650, %mul3A_651 : i32
            %add3A_653 = arith.constant 0 : i32
            %add3A_654 = arith.addi %add3A_653, %mul3A_652 : i32
            %get3A_655 = arith.constant 0 : i32
            %get3A_656 = arith.constant 0 : i32
            %get3A_657 = tpu.memref_slice %run_scoped3A[%rem3A_326, %get3A_655, %get3A_656] : memref<2x16x1024xf32, #tpu.memory_space<vmem>> -> memref<1x16x1024xf32, #tpu.memory_space<vmem>>
            %get3A_658 = tpu.memref_squeeze %get3A_657 : memref<1x16x1024xf32, #tpu.memory_space<vmem>> -> memref<16x1024xf32, #tpu.memory_space<vmem>>
            %get3A_659 = arith.index_cast %add3A_518 : i32 to index
            %get3A_660 = arith.index_cast %add3A_654 : i32 to index
            %get3A_661 = tpu.vector_load %get3A_658[%get3A_659, %get3A_660] {strides = array<i32>} : memref<16x1024xf32, #tpu.memory_space<vmem>>, vector<1x16xf32>,
            %get3A_662 = vector.shape_cast %get3A_661 : vector<1x16xf32> to vector<1x16xf32>
            %get3A_663 = arith.constant 0 : i32
            %get3A_664 = arith.constant 0 : i32
            %get3A_665 = tpu.memref_slice %run_scoped3A_8[%rem3A_328, %get3A_663, %get3A_664] : memref<2x16x1024xf32, #tpu.memory_space<vmem>> -> memref<1x16x1024xf32, #tpu.memory_space<vmem>>
            %get3A_666 = tpu.memref_squeeze %get3A_665 : memref<1x16x1024xf32, #tpu.memory_space<vmem>> -> memref<16x1024xf32, #tpu.memory_space<vmem>>
            %get3A_667 = arith.index_cast %add3A_518 : i32 to index
            %get3A_668 = arith.index_cast %add3A_654 : i32 to index
            %get3A_669 = tpu.vector_load %get3A_666[%get3A_667, %get3A_668] {strides = array<i32>} : memref<16x1024xf32, #tpu.memory_space<vmem>>, vector<1x16xf32>,
            %get3A_670 = vector.shape_cast %get3A_669 : vector<1x16xf32> to vector<1x16xf32>
            %add3A_671 = arith.addf %get3A_662, %get3A_670 : vector<1x16xf32>
            %swap3A_672 = arith.constant 0 : i32
            %swap3A_673 = arith.constant 0 : i32
            %swap3A_674 = tpu.memref_slice %run_scoped3A_10[%rem3A_330, %swap3A_672, %swap3A_673] : memref<2x16x1024xf32, #tpu.memory_space<vmem>> -> memref<1x16x1024xf32, #tpu.memory_space<vmem>>
            %swap3A_675 = tpu.memref_squeeze %swap3A_674 : memref<1x16x1024xf32, #tpu.memory_space<vmem>> -> memref<16x1024xf32, #tpu.memory_space<vmem>>
            %swap3A_676 = arith.index_cast %add3A_518 : i32 to index
            %swap3A_677 = arith.index_cast %add3A_654 : i32 to index
            %swap3A_678 = tpu.vector_load %swap3A_675[%swap3A_676, %swap3A_677] {strides = array<i32>} : memref<16x1024xf32, #tpu.memory_space<vmem>>, vector<1x16xf32>,
            %swap3A_679 = vector.shape_cast %swap3A_678 : vector<1x16xf32> to vector<1x16xf32>
            %swap3A_680 = vector.shape_cast %add3A_671 : vector<1x16xf32> to vector<1x16xf32>
            tpu.vector_store %swap3A_675[%swap3A_676, %swap3A_677], %swap3A_680 {strides = array<i32>} : memref<16x1024xf32, #tpu.memory_space<vmem>>, vector<1x16xf32>,
            %scan3A_681 = arith.constant 5 : i32
            %scan3A_682 = arith.addi %scan3A_524, %scan3A_681 : i32
            %mul3A_683 = arith.constant 16 : i32
            %mul3A_684 = arith.muli %scan3A_682, %mul3A_683 : i32
            %add3A_685 = arith.constant 0 : i32
            %add3A_686 = arith.addi %add3A_685, %mul3A_684 : i32
            %get3A_687 = arith.constant 0 : i32
            %get3A_688 = arith.constant 0 : i32
            %get3A_689 = tpu.memref_slice %run_scoped3A[%rem3A_326, %get3A_687, %get3A_688] : memref<2x16x1024xf32, #tpu.memory_space<vmem>> -> memref<1x16x1024xf32, #tpu.memory_space<vmem>>
            %get3A_690 = tpu.memref_squeeze %get3A_689 : memref<1x16x1024xf32, #tpu.memory_space<vmem>> -> memref<16x1024xf32, #tpu.memory_space<vmem>>
            %get3A_691 = arith.index_cast %add3A_518 : i32 to index
            %get3A_692 = arith.index_cast %add3A_686 : i32 to index
            %get3A_693 = tpu.vector_load %get3A_690[%get3A_691, %get3A_692] {strides = array<i32>} : memref<16x1024xf32, #tpu.memory_space<vmem>>, vector<1x16xf32>,
            %get3A_694 = vector.shape_cast %get3A_693 : vector<1x16xf32> to vector<1x16xf32>
            %get3A_695 = arith.constant 0 : i32
            %get3A_696 = arith.constant 0 : i32
            %get3A_697 = tpu.memref_slice %run_scoped3A_8[%rem3A_328, %get3A_695, %get3A_696] : memref<2x16x1024xf32, #tpu.memory_space<vmem>> -> memref<1x16x1024xf32, #tpu.memory_space<vmem>>
            %get3A_698 = tpu.memref_squeeze %get3A_697 : memref<1x16x1024xf32, #tpu.memory_space<vmem>> -> memref<16x1024xf32, #tpu.memory_space<vmem>>
            %get3A_699 = arith.index_cast %add3A_518 : i32 to index
            %get3A_700 = arith.index_cast %add3A_686 : i32 to index
            %get3A_701 = tpu.vector_load %get3A_698[%get3A_699, %get3A_700] {strides = array<i32>} : memref<16x1024xf32, #tpu.memory_space<vmem>>, vector<1x16xf32>,
            %get3A_702 = vector.shape_cast %get3A_701 : vector<1x16xf32> to vector<1x16xf32>
            %add3A_703 = arith.addf %get3A_694, %get3A_702 : vector<1x16xf32>
            %swap3A_704 = arith.constant 0 : i32
            %swap3A_705 = arith.constant 0 : i32
            %swap3A_706 = tpu.memref_slice %run_scoped3A_10[%rem3A_330, %swap3A_704, %swap3A_705] : memref<2x16x1024xf32, #tpu.memory_space<vmem>> -> memref<1x16x1024xf32, #tpu.memory_space<vmem>>
            %swap3A_707 = tpu.memref_squeeze %swap3A_706 : memref<1x16x1024xf32, #tpu.memory_space<vmem>> -> memref<16x1024xf32, #tpu.memory_space<vmem>>
            %swap3A_708 = arith.index_cast %add3A_518 : i32 to index
            %swap3A_709 = arith.index_cast %add3A_686 : i32 to index
            %swap3A_710 = tpu.vector_load %swap3A_707[%swap3A_708, %swap3A_709] {strides = array<i32>} : memref<16x1024xf32, #tpu.memory_space<vmem>>, vector<1x16xf32>,
            %swap3A_711 = vector.shape_cast %swap3A_710 : vector<1x16xf32> to vector<1x16xf32>
            %swap3A_712 = vector.shape_cast %add3A_703 : vector<1x16xf32> to vector<1x16xf32>
            tpu.vector_store %swap3A_707[%swap3A_708, %swap3A_709], %swap3A_712 {strides = array<i32>} : memref<16x1024xf32, #tpu.memory_space<vmem>>, vector<1x16xf32>,
            %scan3A_713 = arith.constant 6 : i32
            %scan3A_714 = arith.addi %scan3A_524, %scan3A_713 : i32
            %mul3A_715 = arith.constant 16 : i32
            %mul3A_716 = arith.muli %scan3A_714, %mul3A_715 : i32
            %add3A_717 = arith.constant 0 : i32
            %add3A_718 = arith.addi %add3A_717, %mul3A_716 : i32
            %get3A_719 = arith.constant 0 : i32
            %get3A_720 = arith.constant 0 : i32
            %get3A_721 = tpu.memref_slice %run_scoped3A[%rem3A_326, %get3A_719, %get3A_720] : memref<2x16x1024xf32, #tpu.memory_space<vmem>> -> memref<1x16x1024xf32, #tpu.memory_space<vmem>>
            %get3A_722 = tpu.memref_squeeze %get3A_721 : memref<1x16x1024xf32, #tpu.memory_space<vmem>> -> memref<16x1024xf32, #tpu.memory_space<vmem>>
            %get3A_723 = arith.index_cast %add3A_518 : i32 to index
            %get3A_724 = arith.index_cast %add3A_718 : i32 to index
            %get3A_725 = tpu.vector_load %get3A_722[%get3A_723, %get3A_724] {strides = array<i32>} : memref<16x1024xf32, #tpu.memory_space<vmem>>, vector<1x16xf32>,
            %get3A_726 = vector.shape_cast %get3A_725 : vector<1x16xf32> to vector<1x16xf32>
            %get3A_727 = arith.constant 0 : i32
            %get3A_728 = arith.constant 0 : i32
            %get3A_729 = tpu.memref_slice %run_scoped3A_8[%rem3A_328, %get3A_727, %get3A_728] : memref<2x16x1024xf32, #tpu.memory_space<vmem>> -> memref<1x16x1024xf32, #tpu.memory_space<vmem>>
            %get3A_730 = tpu.memref_squeeze %get3A_729 : memref<1x16x1024xf32, #tpu.memory_space<vmem>> -> memref<16x1024xf32, #tpu.memory_space<vmem>>
            %get3A_731 = arith.index_cast %add3A_518 : i32 to index
            %get3A_732 = arith.index_cast %add3A_718 : i32 to index
            %get3A_733 = tpu.vector_load %get3A_730[%get3A_731, %get3A_732] {strides = array<i32>} : memref<16x1024xf32, #tpu.memory_space<vmem>>, vector<1x16xf32>,
            %get3A_734 = vector.shape_cast %get3A_733 : vector<1x16xf32> to vector<1x16xf32>
            %add3A_735 = arith.addf %get3A_726, %get3A_734 : vector<1x16xf32>
            %swap3A_736 = arith.constant 0 : i32
            %swap3A_737 = arith.constant 0 : i32
            %swap3A_738 = tpu.memref_slice %run_scoped3A_10[%rem3A_330, %swap3A_736, %swap3A_737] : memref<2x16x1024xf32, #tpu.memory_space<vmem>> -> memref<1x16x1024xf32, #tpu.memory_space<vmem>>
            %swap3A_739 = tpu.memref_squeeze %swap3A_738 : memref<1x16x1024xf32, #tpu.memory_space<vmem>> -> memref<16x1024xf32, #tpu.memory_space<vmem>>
            %swap3A_740 = arith.index_cast %add3A_518 : i32 to index
            %swap3A_741 = arith.index_cast %add3A_718 : i32 to index
            %swap3A_742 = tpu.vector_load %swap3A_739[%swap3A_740, %swap3A_741] {strides = array<i32>} : memref<16x1024xf32, #tpu.memory_space<vmem>>, vector<1x16xf32>,
            %swap3A_743 = vector.shape_cast %swap3A_742 : vector<1x16xf32> to vector<1x16xf32>
            %swap3A_744 = vector.shape_cast %add3A_735 : vector<1x16xf32> to vector<1x16xf32>
            tpu.vector_store %swap3A_739[%swap3A_740, %swap3A_741], %swap3A_744 {strides = array<i32>} : memref<16x1024xf32, #tpu.memory_space<vmem>>, vector<1x16xf32>,
            %scan3A_745 = arith.constant 7 : i32
            %scan3A_746 = arith.addi %scan3A_524, %scan3A_745 : i32
            %mul3A_747 = arith.constant 16 : i32
            %mul3A_748 = arith.muli %scan3A_746, %mul3A_747 : i32
            %add3A_749 = arith.constant 0 : i32
            %add3A_750 = arith.addi %add3A_749, %mul3A_748 : i32
            %get3A_751 = arith.constant 0 : i32
            %get3A_752 = arith.constant 0 : i32
            %get3A_753 = tpu.memref_slice %run_scoped3A[%rem3A_326, %get3A_751, %get3A_752] : memref<2x16x1024xf32, #tpu.memory_space<vmem>> -> memref<1x16x1024xf32, #tpu.memory_space<vmem>>
            %get3A_754 = tpu.memref_squeeze %get3A_753 : memref<1x16x1024xf32, #tpu.memory_space<vmem>> -> memref<16x1024xf32, #tpu.memory_space<vmem>>
            %get3A_755 = arith.index_cast %add3A_518 : i32 to index
            %get3A_756 = arith.index_cast %add3A_750 : i32 to index
            %get3A_757 = tpu.vector_load %get3A_754[%get3A_755, %get3A_756] {strides = array<i32>} : memref<16x1024xf32, #tpu.memory_space<vmem>>, vector<1x16xf32>,
            %get3A_758 = vector.shape_cast %get3A_757 : vector<1x16xf32> to vector<1x16xf32>
            %get3A_759 = arith.constant 0 : i32
            %get3A_760 = arith.constant 0 : i32
            %get3A_761 = tpu.memref_slice %run_scoped3A_8[%rem3A_328, %get3A_759, %get3A_760] : memref<2x16x1024xf32, #tpu.memory_space<vmem>> -> memref<1x16x1024xf32, #tpu.memory_space<vmem>>
            %get3A_762 = tpu.memref_squeeze %get3A_761 : memref<1x16x1024xf32, #tpu.memory_space<vmem>> -> memref<16x1024xf32, #tpu.memory_space<vmem>>
            %get3A_763 = arith.index_cast %add3A_518 : i32 to index
            %get3A_764 = arith.index_cast %add3A_750 : i32 to index
            %get3A_765 = tpu.vector_load %get3A_762[%get3A_763, %get3A_764] {strides = array<i32>} : memref<16x1024xf32, #tpu.memory_space<vmem>>, vector<1x16xf32>,
            %get3A_766 = vector.shape_cast %get3A_765 : vector<1x16xf32> to vector<1x16xf32>
            %add3A_767 = arith.addf %get3A_758, %get3A_766 : vector<1x16xf32>
            %swap3A_768 = arith.constant 0 : i32
            %swap3A_769 = arith.constant 0 : i32
            %swap3A_770 = tpu.memref_slice %run_scoped3A_10[%rem3A_330, %swap3A_768, %swap3A_769] : memref<2x16x1024xf32, #tpu.memory_space<vmem>> -> memref<1x16x1024xf32, #tpu.memory_space<vmem>>
            %swap3A_771 = tpu.memref_squeeze %swap3A_770 : memref<1x16x1024xf32, #tpu.memory_space<vmem>> -> memref<16x1024xf32, #tpu.memory_space<vmem>>
            %swap3A_772 = arith.index_cast %add3A_518 : i32 to index
            %swap3A_773 = arith.index_cast %add3A_750 : i32 to index
            %swap3A_774 = tpu.vector_load %swap3A_771[%swap3A_772, %swap3A_773] {strides = array<i32>} : memref<16x1024xf32, #tpu.memory_space<vmem>>, vector<1x16xf32>,
            %swap3A_775 = vector.shape_cast %swap3A_774 : vector<1x16xf32> to vector<1x16xf32>
            %swap3A_776 = vector.shape_cast %add3A_767 : vector<1x16xf32> to vector<1x16xf32>
            tpu.vector_store %swap3A_771[%swap3A_772, %swap3A_773], %swap3A_776 {strides = array<i32>} : memref<16x1024xf32, #tpu.memory_space<vmem>>, vector<1x16xf32>,
          }
          %scan3A_523 = arith.constant 64 : i32
        }
        %scan3A_335 = arith.constant 16 : i32
        "tpu.trace_stop"() : () -> ()
        %rem3A_336 = arith.constant 4 : i32
        %rem3A_337 = arith.remsi %add3A_175, %rem3A_336 : i32
        %mul3A_338 = arith.constant 512 : i32
        %mul3A_339 = arith.muli %rem3A_337, %mul3A_338 : i32
        %div3A_340 = arith.constant 4 : i32
        %div3A_341 = arith.divsi %add3A_175, %div3A_340 : i32
        %add3A_342 = arith.addi %mul3A_339, %div3A_341 : i32
        %rem3A_343 = arith.constant 4 : i32
        %rem3A_344 = arith.remsi %add3A_193, %rem3A_343 : i32
        %mul3A_345 = arith.constant 512 : i32
        %mul3A_346 = arith.muli %rem3A_344, %mul3A_345 : i32
        %div3A_347 = arith.constant 4 : i32
        %div3A_348 = arith.divsi %add3A_193, %div3A_347 : i32
        %add3A_349 = arith.addi %mul3A_346, %div3A_348 : i32
        %ne3A_350 = arith.cmpi ne, %add3A_342, %add3A_349 : i32
        %or3A_351 = arith.constant false
        %or3A_352 = arith.ori %or3A_351, %ne3A_350 : i1
        %or3A_353 = arith.constant false
        %or3A_354 = arith.ori %or3A_352, %or3A_353 : i1
        %or3A_355 = arith.ori %or3A_354, %eq3A_174 : i1
        %convert_element_type3A_356 = arith.extui %or3A_355 : i1 to i32
        %cond3A_357 = arith.constant 0 : i32
        %cond3A_358 = arith.cmpi ne, %convert_element_type3A_356, %cond3A_357 : i32
        scf.if %cond3A_358 {
        } else {
        }
        %and3A_359 = arith.constant false
        %and3A_360 = arith.andi %or3A_355, %and3A_359 : i1
        %div3A_361 = arith.constant 4 : i32
        %div3A_362 = arith.divsi %add3A_175, %div3A_361 : i32
        %div3A_363 = arith.constant 4 : i32
        %div3A_364 = arith.divsi %add3A_193, %div3A_363 : i32
        %ne3A_365 = arith.cmpi ne, %div3A_362, %div3A_364 : i32
        %or3A_366 = arith.constant false
        %or3A_367 = arith.ori %or3A_366, %ne3A_365 : i1
        %or3A_368 = arith.constant false
        %or3A_369 = arith.ori %or3A_367, %or3A_368 : i1
        %or3A_370 = arith.ori %or3A_369, %eq3A_174 : i1
        %convert_element_type3A_371 = arith.extui %or3A_370 : i1 to i32
        %cond3A_372 = arith.constant 0 : i32
        %cond3A_373 = arith.cmpi ne, %convert_element_type3A_371, %cond3A_372 : i32
        scf.if %cond3A_373 {
        } else {
        }
        %and3A_374 = arith.constant false
        %and3A_375 = arith.andi %or3A_370, %and3A_374 : i1
        %rem3A_376 = arith.constant 4 : i32
        %rem3A_377 = arith.remsi %add3A_175, %rem3A_376 : i32
        %div3A_378 = arith.constant 4 : i32
        %div3A_379 = arith.divsi %add3A_175, %div3A_378 : i32
        %rem3A_380 = arith.constant 4 : i32
        %rem3A_381 = arith.remsi %add3A_193, %rem3A_380 : i32
        %div3A_382 = arith.constant 4 : i32
        %div3A_383 = arith.divsi %add3A_193, %div3A_382 : i32
        %ne3A_384 = arith.cmpi ne, %rem3A_377, %rem3A_381 : i32
        %ne3A_385 = arith.cmpi ne, %div3A_379, %div3A_383 : i32
        %or3A_386 = arith.constant false
        %or3A_387 = arith.ori %or3A_386, %ne3A_384 : i1
        %or3A_388 = arith.ori %or3A_387, %ne3A_385 : i1
        %or3A_389 = arith.constant false
        %or3A_390 = arith.ori %or3A_388, %or3A_389 : i1
        %or3A_391 = arith.ori %or3A_390, %eq3A_174 : i1
        %convert_element_type3A_392 = arith.extui %or3A_391 : i1 to i32
        %cond3A_393 = arith.constant 0 : i32
        %cond3A_394 = arith.cmpi ne, %convert_element_type3A_392, %cond3A_393 : i32
        scf.if %cond3A_394 {
          "tpu.trace_start"() <{level = 10 : i32, message = "ep_copy_out"}> : () -> ()
          %rem3A_514 = arith.constant 2 : i32
          %rem3A_515 = arith.remui %scan3A_168, %rem3A_514 : i32
          %rem3A_516 = arith.constant 4 : i32
          %rem3A_517 = arith.remsi %add3A_175, %rem3A_516 : i32
          %div3A_518 = arith.constant 4 : i32
          %div3A_519 = arith.divsi %add3A_175, %div3A_518 : i32
          %mul3A_520 = arith.constant 16 : i32
          %mul3A_521 = arith.muli %mul3A_520, %div3A_519 : i32
          %dma_start3A_522 = arith.constant 0 : i32
          %dma_start3A_523 = arith.constant 0 : i32
          %dma_start3A_524 = tpu.memref_slice %run_scoped3A_10[%rem3A_515, %dma_start3A_522, %dma_start3A_523] : memref<2x16x1024xf32, #tpu.memory_space<vmem>> -> memref<1x16x1024xf32, #tpu.memory_space<vmem>>
          %dma_start3A_525 = tpu.memref_squeeze %dma_start3A_524 : memref<1x16x1024xf32, #tpu.memory_space<vmem>> -> memref<16x1024xf32, #tpu.memory_space<vmem>>
          %dma_start3A_526 = arith.constant 0 : i32
          %dma_start3A_527 = tpu.memref_slice %arg4[%rem3A_517, %mul3A_521, %dma_start3A_526] : memref<4x512x1024xf32, #tpu.memory_space<hbm>> -> memref<1x16x1024xf32, #tpu.memory_space<hbm>>
          %dma_start3A_528 = tpu.memref_squeeze %dma_start3A_527 : memref<1x16x1024xf32, #tpu.memory_space<hbm>> -> memref<16x1024xf32, #tpu.memory_space<hbm>>
          %dma_start3A_529 = tpu.memref_slice %run_scoped3A_11[%rem3A_515] : memref<2x!tpu.dma_semaphore, #tpu.memory_space<semaphore_mem>> -> memref<1x!tpu.dma_semaphore, #tpu.memory_space<semaphore_mem>>
          %dma_start3A_530 = tpu.memref_squeeze %dma_start3A_529 : memref<1x!tpu.dma_semaphore, #tpu.memory_space<semaphore_mem>> -> memref<!tpu.dma_semaphore, #tpu.memory_space<semaphore_mem>>
          %dma_start3A_531 = arith.constant 0 : i32
          %dma_start3A_532 = tpu.memref_slice %arg4[%rem3A_517, %mul3A_521, %dma_start3A_531] : memref<4x512x1024xf32, #tpu.memory_space<hbm>> -> memref<1x16x1024xf32, #tpu.memory_space<hbm>>
          %dma_start3A_533 = tpu.memref_squeeze %dma_start3A_532 : memref<1x16x1024xf32, #tpu.memory_space<hbm>> -> memref<16x1024xf32, #tpu.memory_space<hbm>>
          %dma_start3A_534 = arith.constant 0 : i32
          %dma_start3A_535 = arith.constant 0 : i32
          %dma_start3A_536 = tpu.memref_slice %run_scoped3A_10[%rem3A_515, %dma_start3A_534, %dma_start3A_535] : memref<2x16x1024xf32, #tpu.memory_space<vmem>> -> memref<1x16x1024xf32, #tpu.memory_space<vmem>>
          %dma_start3A_537 = tpu.memref_squeeze %dma_start3A_536 : memref<1x16x1024xf32, #tpu.memory_space<vmem>> -> memref<16x1024xf32, #tpu.memory_space<vmem>>
          tpu.enqueue_dma source(%dma_start3A_537 : memref<16x1024xf32, #tpu.memory_space<vmem>>) target(%dma_start3A_533 : memref<16x1024xf32, #tpu.memory_space<hbm>>) target_semaphore(%dma_start3A_530 : memref<!tpu.dma_semaphore, #tpu.memory_space<semaphore_mem>>)
          "tpu.trace_stop"() : () -> ()
        } else {
        }
        %and3A_395 = arith.constant true
        %and3A_396 = arith.andi %or3A_391, %and3A_395 : i1
        %add3A_397 = arith.constant 1 : i32
        %add3A_398 = arith.addi %scan3A_168, %add3A_397 : i32
        %select_n3A_399 = arith.select %and3A_396, %add3A_398, %scan3A_168 : i32
        %rem3A_400 = arith.constant 4 : i32
        %rem3A_401 = arith.remsi %add3A_175, %rem3A_400 : i32
        %mul3A_402 = arith.constant 512 : i32
        %mul3A_403 = arith.muli %rem3A_401, %mul3A_402 : i32
        %div3A_404 = arith.constant 4 : i32
        %div3A_405 = arith.divsi %add3A_175, %div3A_404 : i32
        %add3A_406 = arith.addi %mul3A_403, %div3A_405 : i32
        %rem3A_407 = arith.constant 4 : i32
        %rem3A_408 = arith.remsi %add3A_184, %rem3A_407 : i32
        %mul3A_409 = arith.constant 512 : i32
        %mul3A_410 = arith.muli %rem3A_408, %mul3A_409 : i32
        %div3A_411 = arith.constant 4 : i32
        %div3A_412 = arith.divsi %add3A_184, %div3A_411 : i32
        %add3A_413 = arith.addi %mul3A_410, %div3A_412 : i32
        %ne3A_414 = arith.cmpi ne, %add3A_406, %add3A_413 : i32
        %or3A_415 = arith.constant false
        %or3A_416 = arith.ori %or3A_415, %ne3A_414 : i1
        %or3A_417 = arith.constant false
        %or3A_418 = arith.ori %or3A_416, %or3A_417 : i1
        %not3A_419 = arith.constant true
        %not3A_420 = arith.xori %eq3A_172, %not3A_419 : i1
        %and3A_421 = arith.andi %or3A_418, %not3A_420 : i1
        %convert_element_type3A_422 = arith.extui %and3A_421 : i1 to i32
        %cond3A_423 = arith.constant 0 : i32
        %cond3A_424 = arith.cmpi ne, %convert_element_type3A_422, %cond3A_423 : i32
        scf.if %cond3A_424 {
        } else {
        }
        %and3A_425 = arith.constant false
        %and3A_426 = arith.andi %and3A_421, %and3A_425 : i1
        %div3A_427 = arith.constant 4 : i32
        %div3A_428 = arith.divsi %add3A_175, %div3A_427 : i32
        %div3A_429 = arith.constant 4 : i32
        %div3A_430 = arith.divsi %add3A_184, %div3A_429 : i32
        %ne3A_431 = arith.cmpi ne, %div3A_428, %div3A_430 : i32
        %or3A_432 = arith.constant false
        %or3A_433 = arith.ori %or3A_432, %ne3A_431 : i1
        %or3A_434 = arith.constant false
        %or3A_435 = arith.ori %or3A_433, %or3A_434 : i1
        %not3A_436 = arith.constant true
        %not3A_437 = arith.xori %eq3A_172, %not3A_436 : i1
        %and3A_438 = arith.andi %or3A_435, %not3A_437 : i1
        %convert_element_type3A_439 = arith.extui %and3A_438 : i1 to i32
        %cond3A_440 = arith.constant 0 : i32
        %cond3A_441 = arith.cmpi ne, %convert_element_type3A_439, %cond3A_440 : i32
        scf.if %cond3A_441 {
        } else {
        }
        %and3A_442 = arith.constant false
        %and3A_443 = arith.andi %and3A_438, %and3A_442 : i1
        %rem3A_444 = arith.constant 4 : i32
        %rem3A_445 = arith.remsi %add3A_175, %rem3A_444 : i32
        %div3A_446 = arith.constant 4 : i32
        %div3A_447 = arith.divsi %add3A_175, %div3A_446 : i32
        %rem3A_448 = arith.constant 4 : i32
        %rem3A_449 = arith.remsi %add3A_184, %rem3A_448 : i32
        %div3A_450 = arith.constant 4 : i32
        %div3A_451 = arith.divsi %add3A_184, %div3A_450 : i32
        %ne3A_452 = arith.cmpi ne, %rem3A_445, %rem3A_449 : i32
        %ne3A_453 = arith.cmpi ne, %div3A_447, %div3A_451 : i32
        %or3A_454 = arith.constant false
        %or3A_455 = arith.ori %or3A_454, %ne3A_452 : i1
        %or3A_456 = arith.ori %or3A_455, %ne3A_453 : i1
        %or3A_457 = arith.constant false
        %or3A_458 = arith.ori %or3A_456, %or3A_457 : i1
        %not3A_459 = arith.constant true
        %not3A_460 = arith.xori %eq3A_172, %not3A_459 : i1
        %and3A_461 = arith.andi %or3A_458, %not3A_460 : i1
        %convert_element_type3A_462 = arith.extui %and3A_461 : i1 to i32
        %cond3A_463 = arith.constant 0 : i32
        %cond3A_464 = arith.cmpi ne, %convert_element_type3A_462, %cond3A_463 : i32
        scf.if %cond3A_464 {
          "tpu.trace_start"() <{level = 10 : i32, message = "ep_wait_out"}> : () -> ()
          %rem3A_514 = arith.constant 2 : i32
          %rem3A_515 = arith.remui %scan3A_169, %rem3A_514 : i32
          %rem3A_516 = arith.constant 4 : i32
          %rem3A_517 = arith.remsi %add3A_184, %rem3A_516 : i32
          %div3A_518 = arith.constant 4 : i32
          %div3A_519 = arith.divsi %add3A_184, %div3A_518 : i32
          %mul3A_520 = arith.constant 16 : i32
          %mul3A_521 = arith.muli %mul3A_520, %div3A_519 : i32
          %dma_wait3A_522 = arith.constant 0 : i32
          %dma_wait3A_523 = arith.constant 0 : i32
          %dma_wait3A_524 = tpu.memref_slice %run_scoped3A_10[%rem3A_515, %dma_wait3A_522, %dma_wait3A_523] : memref<2x16x1024xf32, #tpu.memory_space<vmem>> -> memref<1x16x1024xf32, #tpu.memory_space<vmem>>
          %dma_wait3A_525 = tpu.memref_squeeze %dma_wait3A_524 : memref<1x16x1024xf32, #tpu.memory_space<vmem>> -> memref<16x1024xf32, #tpu.memory_space<vmem>>
          %dma_wait3A_526 = arith.constant 0 : i32
          %dma_wait3A_527 = tpu.memref_slice %arg4[%rem3A_517, %mul3A_521, %dma_wait3A_526] : memref<4x512x1024xf32, #tpu.memory_space<hbm>> -> memref<1x16x1024xf32, #tpu.memory_space<hbm>>
          %dma_wait3A_528 = tpu.memref_squeeze %dma_wait3A_527 : memref<1x16x1024xf32, #tpu.memory_space<hbm>> -> memref<16x1024xf32, #tpu.memory_space<hbm>>
          %dma_wait3A_529 = tpu.memref_slice %run_scoped3A_11[%rem3A_515] : memref<2x!tpu.dma_semaphore, #tpu.memory_space<semaphore_mem>> -> memref<1x!tpu.dma_semaphore, #tpu.memory_space<semaphore_mem>>
          %dma_wait3A_530 = tpu.memref_squeeze %dma_wait3A_529 : memref<1x!tpu.dma_semaphore, #tpu.memory_space<semaphore_mem>> -> memref<!tpu.dma_semaphore, #tpu.memory_space<semaphore_mem>>
          %dma_wait3A_531 = arith.constant 0 : i32
          %dma_wait3A_532 = tpu.memref_slice %arg4[%rem3A_517, %mul3A_521, %dma_wait3A_531] : memref<4x512x1024xf32, #tpu.memory_space<hbm>> -> memref<1x16x1024xf32, #tpu.memory_space<hbm>>
          %dma_wait3A_533 = tpu.memref_squeeze %dma_wait3A_532 : memref<1x16x1024xf32, #tpu.memory_space<hbm>> -> memref<16x1024xf32, #tpu.memory_space<hbm>>
          %dma_wait3A_534 = arith.constant 0 : i32
          %dma_wait3A_535 = arith.constant 0 : i32
          %dma_wait3A_536 = tpu.memref_slice %run_scoped3A_10[%rem3A_515, %dma_wait3A_534, %dma_wait3A_535] : memref<2x16x1024xf32, #tpu.memory_space<vmem>> -> memref<1x16x1024xf32, #tpu.memory_space<vmem>>
          %dma_wait3A_537 = tpu.memref_squeeze %dma_wait3A_536 : memref<1x16x1024xf32, #tpu.memory_space<vmem>> -> memref<16x1024xf32, #tpu.memory_space<vmem>>
          tpu.wait_dma2 semaphore(%dma_wait3A_530 : memref<!tpu.dma_semaphore, #tpu.memory_space<semaphore_mem>>) src(%dma_wait3A_537 : memref<16x1024xf32, #tpu.memory_space<vmem>>) dst(%dma_wait3A_533 : memref<16x1024xf32, #tpu.memory_space<hbm>>)
          "tpu.trace_stop"() : () -> ()
        } else {
        }
        %and3A_465 = arith.constant true
        %and3A_466 = arith.andi %and3A_461, %and3A_465 : i1
        %add3A_467 = arith.constant 1 : i32
        %add3A_468 = arith.addi %scan3A_169, %add3A_467 : i32
        %select_n3A_469 = arith.select %and3A_466, %add3A_468, %scan3A_169 : i32
        %rem3A_470 = arith.constant 4 : i32
        %rem3A_471 = arith.remsi %add3A_175, %rem3A_470 : i32
        %mul3A_472 = arith.constant 512 : i32
        %mul3A_473 = arith.muli %rem3A_471, %mul3A_472 : i32
        %div3A_474 = arith.constant 4 : i32
        %div3A_475 = arith.divsi %add3A_175, %div3A_474 : i32
        %add3A_476 = arith.addi %mul3A_473, %div3A_475 : i32
        %rem3A_477 = arith.constant 4 : i32
        %rem3A_478 = arith.remsi %add3A_193, %rem3A_477 : i32
        %mul3A_479 = arith.constant 512 : i32
        %mul3A_480 = arith.muli %rem3A_478, %mul3A_479 : i32
        %div3A_481 = arith.constant 4 : i32
        %div3A_482 = arith.divsi %add3A_193, %div3A_481 : i32
        %add3A_483 = arith.addi %mul3A_480, %div3A_482 : i32
        %ne3A_484 = arith.cmpi ne, %add3A_476, %add3A_483 : i32
        %or3A_485 = arith.constant false
        %or3A_486 = arith.ori %or3A_485, %ne3A_484 : i1
        %or3A_487 = arith.constant false
        %or3A_488 = arith.ori %or3A_486, %or3A_487 : i1
        %or3A_489 = arith.ori %or3A_488, %eq3A_174 : i1
        %add3A_490 = arith.constant 1 : i32
        %add3A_491 = arith.addi %scan3A_165, %add3A_490 : i32
        %select_n3A_492 = arith.select %or3A_489, %add3A_491, %scan3A_165 : i32
        %div3A_493 = arith.constant 4 : i32
        %div3A_494 = arith.divsi %add3A_175, %div3A_493 : i32
        %div3A_495 = arith.constant 4 : i32
        %div3A_496 = arith.divsi %add3A_193, %div3A_495 : i32
        %ne3A_497 = arith.cmpi ne, %div3A_494, %div3A_496 : i32
        %or3A_498 = arith.constant false
        %or3A_499 = arith.ori %or3A_498, %ne3A_497 : i1
        %or3A_500 = arith.constant false
        %or3A_501 = arith.ori %or3A_499, %or3A_500 : i1
        %or3A_502 = arith.ori %or3A_501, %eq3A_174 : i1
        %add3A_503 = arith.constant 1 : i32
        %add3A_504 = arith.addi %scan3A_167, %add3A_503 : i32
        %select_n3A_505 = arith.select %or3A_502, %add3A_504, %scan3A_167 : i32
        %add3A_506 = arith.constant 1 : i32
        %add3A_507 = arith.addi %scan3A_170, %add3A_506 : i32
        %select_n3A_508 = arith.constant true
        %select_n3A_509 = arith.select %select_n3A_508, %add3A_507, %scan3A_170 : i32
        %eq3A_510 = arith.constant 4 : i32
        %eq3A_511 = arith.cmpi eq, %select_n3A_509, %eq3A_510 : i32
        %select_n3A_512 = arith.constant 0 : i32
        %select_n3A_513 = arith.select %eq3A_511, %select_n3A_512, %select_n3A_509 : i32
        scf.yield %select_n3A_227, %select_n3A_492, %select_n3A_249, %select_n3A_505, %select_n3A_399, %select_n3A_469, %select_n3A_513 : i32, i32, i32, i32, i32, i32, i32
      }
      %scan3A_104 = arith.constant 4 : i32
      %sub3A = arith.constant 1 : i32
      %sub3A_105 = arith.subi %scan3A_103#6, %sub3A : i32
      %select_n3A_106 = arith.constant true
      %select_n3A_107 = arith.select %select_n3A_106, %sub3A_105, %scan3A_103#6 : i32
      %eq3A_108 = arith.constant -1 : i32
      %eq3A_109 = arith.cmpi eq, %select_n3A_107, %eq3A_108 : i32
      %select_n3A_110 = arith.constant 3 : i32
      %select_n3A_111 = arith.select %eq3A_109, %select_n3A_110, %select_n3A_107 : i32
      %add3A_112 = arith.addi %select_n3A_111, %mul3A_6 : i32
      %sub3A_113 = arith.constant 1 : i32
      %sub3A_114 = arith.subi %select_n3A_111, %sub3A_113 : i32
      %select_n3A_115 = arith.constant true
      %select_n3A_116 = arith.select %select_n3A_115, %sub3A_114, %select_n3A_111 : i32
      %eq3A_117 = arith.constant -1 : i32
      %eq3A_118 = arith.cmpi eq, %select_n3A_116, %eq3A_117 : i32
      %select_n3A_119 = arith.constant 3 : i32
      %select_n3A_120 = arith.select %eq3A_118, %select_n3A_119, %select_n3A_116 : i32
      %add3A_121 = arith.addi %select_n3A_120, %mul3A_6 : i32
      %add3A_122 = arith.constant 1 : i32
      %add3A_123 = arith.addi %select_n3A_111, %add3A_122 : i32
      %select_n3A_124 = arith.constant true
      %select_n3A_125 = arith.select %select_n3A_124, %add3A_123, %select_n3A_111 : i32
      %eq3A_126 = arith.constant 4 : i32
      %eq3A_127 = arith.cmpi eq, %select_n3A_125, %eq3A_126 : i32
      %select_n3A_128 = arith.constant 0 : i32
      %select_n3A_129 = arith.select %eq3A_127, %select_n3A_128, %select_n3A_125 : i32
      %add3A_130 = arith.addi %select_n3A_129, %mul3A_6 : i32
      %add3A_131 = arith.constant 1 : i32
      %add3A_132 = arith.addi %select_n3A_129, %add3A_131 : i32
      %select_n3A_133 = arith.constant true
      %select_n3A_134 = arith.select %select_n3A_133, %add3A_132, %select_n3A_129 : i32
      %eq3A_135 = arith.constant 4 : i32
      %eq3A_136 = arith.cmpi eq, %select_n3A_134, %eq3A_135 : i32
      %select_n3A_137 = arith.constant 0 : i32
      %select_n3A_138 = arith.select %eq3A_136, %select_n3A_137, %select_n3A_134 : i32
      %add3A_139 = arith.addi %select_n3A_138, %mul3A_6 : i32
      "tpu.trace_start"() <{level = 10 : i32, message = "ep_finalize"}> : () -> ()
      %rem3A_140 = arith.constant 2 : i32
      %rem3A_141 = arith.remui %scan3A_103#5, %rem3A_140 : i32
      %rem3A_142 = arith.constant 4 : i32
      %rem3A_143 = arith.remsi %add3A_112, %rem3A_142 : i32
      %div3A_144 = arith.constant 4 : i32
      %div3A_145 = arith.divsi %add3A_112, %div3A_144 : i32
      %mul3A_146 = arith.constant 16 : i32
      %mul3A_147 = arith.muli %mul3A_146, %div3A_145 : i32
      %dma_wait3A = arith.constant 0 : i32
      %dma_wait3A_148 = arith.constant 0 : i32
      %dma_wait3A_149 = tpu.memref_slice %run_scoped3A_10[%rem3A_141, %dma_wait3A, %dma_wait3A_148] : memref<2x16x1024xf32, #tpu.memory_space<vmem>> -> memref<1x16x1024xf32, #tpu.memory_space<vmem>>
      %dma_wait3A_150 = tpu.memref_squeeze %dma_wait3A_149 : memref<1x16x1024xf32, #tpu.memory_space<vmem>> -> memref<16x1024xf32, #tpu.memory_space<vmem>>
      %dma_wait3A_151 = arith.constant 0 : i32
      %dma_wait3A_152 = tpu.memref_slice %arg4[%rem3A_143, %mul3A_147, %dma_wait3A_151] : memref<4x512x1024xf32, #tpu.memory_space<hbm>> -> memref<1x16x1024xf32, #tpu.memory_space<hbm>>
      %dma_wait3A_153 = tpu.memref_squeeze %dma_wait3A_152 : memref<1x16x1024xf32, #tpu.memory_space<hbm>> -> memref<16x1024xf32, #tpu.memory_space<hbm>>
      %dma_wait3A_154 = tpu.memref_slice %run_scoped3A_11[%rem3A_141] : memref<2x!tpu.dma_semaphore, #tpu.memory_space<semaphore_mem>> -> memref<1x!tpu.dma_semaphore, #tpu.memory_space<semaphore_mem>>
      %dma_wait3A_155 = tpu.memref_squeeze %dma_wait3A_154 : memref<1x!tpu.dma_semaphore, #tpu.memory_space<semaphore_mem>> -> memref<!tpu.dma_semaphore, #tpu.memory_space<semaphore_mem>>
      %dma_wait3A_156 = arith.constant 0 : i32
      %dma_wait3A_157 = tpu.memref_slice %arg4[%rem3A_143, %mul3A_147, %dma_wait3A_156] : memref<4x512x1024xf32, #tpu.memory_space<hbm>> -> memref<1x16x1024xf32, #tpu.memory_space<hbm>>
      %dma_wait3A_158 = tpu.memref_squeeze %dma_wait3A_157 : memref<1x16x1024xf32, #tpu.memory_space<hbm>> -> memref<16x1024xf32, #tpu.memory_space<hbm>>
      %dma_wait3A_159 = arith.constant 0 : i32
      %dma_wait3A_160 = arith.constant 0 : i32
      %dma_wait3A_161 = tpu.memref_slice %run_scoped3A_10[%rem3A_141, %dma_wait3A_159, %dma_wait3A_160] : memref<2x16x1024xf32, #tpu.memory_space<vmem>> -> memref<1x16x1024xf32, #tpu.memory_space<vmem>>
      %dma_wait3A_162 = tpu.memref_squeeze %dma_wait3A_161 : memref<1x16x1024xf32, #tpu.memory_space<vmem>> -> memref<16x1024xf32, #tpu.memory_space<vmem>>
      tpu.wait_dma2 semaphore(%dma_wait3A_155 : memref<!tpu.dma_semaphore, #tpu.memory_space<semaphore_mem>>) src(%dma_wait3A_162 : memref<16x1024xf32, #tpu.memory_space<vmem>>) dst(%dma_wait3A_158 : memref<16x1024xf32, #tpu.memory_space<hbm>>)
      "tpu.trace_stop"() : () -> ()
      tpu.yield
    }) : () -> ()
    return
  }
}

module attributes {stable_mosaic.version = 14 : i64} {
  func.func @body(%arg0: i32, %arg1: i32, %arg2: memref<1x512x1024xf32, #tpu.memory_space<vmem>>, %arg3: memref<512x1024xf32, #tpu.memory_space<vmem>>, %arg4: memref<1x512x1024xf32, #tpu.memory_space<vmem>>) attributes {dimension_semantics = [#tpu.dimension_semantics<arbitrary>, #tpu.dimension_semantics<arbitrary>], iteration_bounds = array<i64: 15, 4>, scalar_prefetch = 0 : i64, scratch_operands = 0 : i64, tpu.core_type = #tpu.core_type<tc>, window_params = [{transform_indices = @transform_0, window_bounds = array<i64: 1, 512, 1024>}, {transform_indices = @transform_1, window_bounds = array<i64: 512, 1024>}, {transform_indices = @transform_2, window_bounds = array<i64: 1, 512, 1024>}]} {
    %get3A = arith.constant 0 : index
    %get3A_0 = arith.constant 0 : index
    %get3A_1 = arith.constant 0 : index
    %get3A_2 = vector.load %arg2[%get3A, %get3A_0, %get3A_1] : memref<1x512x1024xf32, #tpu.memory_space<vmem>>, vector<1x512x1024xf32>
    %get3A_3 = arith.constant 0 : index
    %get3A_4 = arith.constant 0 : index
    %get3A_5 = vector.load %arg3[%get3A_3, %get3A_4] : memref<512x1024xf32, #tpu.memory_space<vmem>>, vector<512x1024xf32>
    %broadcast_in_dim3A = vector.shape_cast %get3A_5 : vector<512x1024xf32> to vector<1x512x1024xf32>
    %add3A = arith.addf %get3A_2, %broadcast_in_dim3A : vector<1x512x1024xf32>
    %swap3A = arith.constant 0 : index
    %swap3A_6 = arith.constant 0 : index
    %swap3A_7 = arith.constant 0 : index
    %swap3A_8 = vector.load %arg4[%swap3A, %swap3A_6, %swap3A_7] : memref<1x512x1024xf32, #tpu.memory_space<vmem>>, vector<1x512x1024xf32>
    tpu.vector_store %arg4[%swap3A, %swap3A_6, %swap3A_7], %add3A {strides = array<i32>} : memref<1x512x1024xf32, #tpu.memory_space<vmem>>, vector<1x512x1024xf32>,
    return
  }
  func.func @transform_0(%arg0: i32, %arg1: i32) -> (i32, i32, i32) {
    %add3A = arith.constant 1 : i32
    %add3A_0 = arith.addi %arg0, %add3A : i32
    %c0_i32 = arith.constant 0 : i32
    %c0_i32_1 = arith.constant 0 : i32
    return %arg1, %add3A_0, %c0_i32 : i32, i32, i32
  }
  func.func @transform_1(%arg0: i32, %arg1: i32) -> (i32, i32) {
    %add3A = arith.constant 1 : i32
    %add3A_0 = arith.addi %arg0, %add3A : i32
    %c0_i32 = arith.constant 0 : i32
    %c0_i32_1 = arith.constant 0 : i32
    return %add3A_0, %c0_i32 : i32, i32
  }
  func.func @transform_2(%arg0: i32, %arg1: i32) -> (i32, i32, i32) {
    %add3A = arith.constant 1 : i32
    %add3A_0 = arith.addi %arg0, %add3A : i32
    %c0_i32 = arith.constant 0 : i32
    %c0_i32_1 = arith.constant 0 : i32
    return %arg1, %add3A_0, %c0_i32 : i32, i32, i32
  }
}

</mosaic_0001>

<sc_bundles>
// kernel: kernel.4.cloned.1.call-start
scs
__scs_entry_jumppad:
0x0: {  	(pc) =	sbr.rel $0x88, $3  }
0x1: {  	(tag) =	ssettag $0x0;
	lr =	simm.s32 $0x1  }
0x2: {  	[smem:$0x3F9F] =	sst lr;
	_ =	strace $0xD0000000  }
0x3: {  	_ = 	snop  }
0x4: {  	_ = 	snop  }
0x5: {  	_ = 	snop  }
0x6: {  	_ = 	snop  }
0x7: {  	_ = 	snop  }
__scs_overlays_trampoline_lowered:
0x8: {  	[smem:$0x3FAE] =	sst s0  }
0x9: {  	[smem:$0x3FAF] =	sst s1  }
0xa: {  	[smem:$0x3FB0] =	sst s2  }
0xb: {  	[smem:$0x3FB1] =	sst s3  }
0xc: {  	[smem:$0x3FB2] =	sst s4  }
0xd: {  	[smem:$0x3FB3] =	sst s5  }
0xe: {  	[smem:$0x3FB4] =	sst s6  }
0xf: {  	[smem:$0x3FB5] =	sst s7  }
0x10: {  	[smem:$0x3FB6] =	sst s8  }
0x11: {  	[smem:$0x3FB7] =	sst s9;
	s0 =	simm.s32 @!p0 $0x0  }
0x12: {  	s1 =	sld [smem:$0x3F9D];
	s0 =	simm.s32 @p0 $0x1  }
0x13: {  	[smem:$0x3FB8] =	sst s0;
	s0 =	simm.s32 @!p1 $0x0  }
0x14: {  	s2 =	sld [smem:$0x3F9C];
	s0 =	simm.s32 @p1 $0x1  }
0x15: {  	[smem:$0x3FB9] =	sst s0;
	s0 =	simm.s32 @!p2 $0x0  }
0x16: {  	s3 =	sld [smem:$0x3FDB];
	s0 =	simm.s32 @p2 $0x1  }
0x17: {  	s4 =	simm.s32 $0x1BF5;
	[smem:$0x3FBB] =	sst s0  }
0x18: {  	s0 =	sld [smem:$0x3F9E];
	_ =	swait.ge [sflag:s4], $0x0  }
0x19: {  	s7 =	sld [smem:$0x3F9F]  }
0x1a: {  	s8 =	sadd.s32 $0xFFFFE003, lr  }
0x1b: {  	s9 =	sadd.s32 $0xFFFFFEF7, lr;
	s5 =	simm.s32 $0xFFFFFFFF;
	p2 =	slt.u32 s8, $0xFFFFF086  }
0x1c: {  	p1 =	slt.u32 s9, $0xF7A;
	s5 =	simm.s32 @!p2 $0x0  }
0x1d: {  	s5 =	simm.s32 @p1 $0x1;
	p0 =	seq.s32 s7, s2  }
0x1e: {  	s7 =	smul.u32 @!p0 $0xF7A, s2;
	p2 =	seq.s32 @!p0 s5, $0x0  }
0x1f: {  	s9 =	smul.u32 $0xF7A, s1;
	s8 =	simm.s32 @!p0 $0x1BF5;
	p2 =	por !p2, p0  }
0x20: {  	[sflag:s8] =	ssyncset.s32 @!p0 $0xFFFFF086;
	s6 =	sadd.s32 @!p0 s3, s7;
	s7 =	simm.s32 @!p0 $0x108  }
0x21: {  	s3 =	sadd.s32 s3, s9;
	s6 =	sadd.s32 @!p0 $0x88, s6;
	s7 =	simm.s32 @p2 $0x1082  }
0x22: {  	[simem:s7], [sflag:s8] =	dma.local @!p0 [hbm:s6], $0xF7A  }
0x23: {  	s9 =	sor.u32 $0xD0000000, s2;
	s6 =	simm.s32 $0x108;
	_ =	swait.ge @!p0 [sflag:s8], $0x0  }
0x24: {  	s3 =	sadd.s32 $0x88, s3;
	s6 =	simm.s32 @!p1 $0x1082;
	[sflag:s4] =	ssyncset.s32 $0xFFFFF086  }
0x25: {  	[simem:s6], [sflag:s4] =	dma.local [hbm:s3], $0xF7A  }
0x26: {  	[smem:$0x3F9F] =	sst s1;
	(tag) =	ssettag s2;
	_ =	strace s9  }
0x27: {  	s1 =	sld [smem:$0x3FAF]  }
0x28: {  	s2 =	sld [smem:$0x3FB0]  }
0x29: {  	s4 =	sld [smem:$0x3FB2]  }
0x2a: {  	p0 =	seq.s32 s5, $0x0;
	s5 =	sld [smem:$0x3FB3]  }
0x2b: {  	s6 =	sld [smem:$0x3FB4]  }
0x2c: {  	s7 =	sld [smem:$0x3FB5]  }
0x2d: {  	s3 =	simm.s32 $0x108;
	s8 =	sld [smem:$0x3FB6]  }
0x2e: {  	s3 =	simm.s32 @!p0 $0x1082;
	s9 =	sld [smem:$0x3FB7]  }
0x2f: {  	lr =	sadd.s32 s0, s3;
	s0 =	sld [smem:$0x3FAE]  }
0x30: {  	s3 =	sld [smem:$0x3FB1]  }
0x31: {  	[smem:$0x3FBA] =	sst s10  }
0x32: {  	s10 =	sld [smem:$0x3FB8];
	_ =	sdelay $0x3  }
0x33: {  	p0 =	seq.s32 s10, $0x1;
	s10 =	sld [smem:$0x3FBA];
	_ =	sdelay $0x3  }
0x34: {  	[smem:$0x3FBA] =	sst s10  }
0x35: {  	s10 =	sld [smem:$0x3FB9];
	_ =	sdelay $0x3  }
0x36: {  	p1 =	seq.s32 s10, $0x1;
	s10 =	sld [smem:$0x3FBA];
	_ =	sdelay $0x3  }
0x37: {  	[smem:$0x3FBA] =	sst s10  }
0x38: {  	s10 =	sld [smem:$0x3FBB]  }
0x39: {  	_ = 	snop;
	(pc) =	sbr.ind lr, $3  }
0x3a: {  	_ = 	snop  }
0x3b: {  	_ = 	snop  }
0x3c: {  	p2 =	seq.s32 s10, $0x1;
	s10 =	sld [smem:$0x3FBA]  }
0x3d: {  	_ =	shalt  }
0x3e: {  	_ =	shalt  }
0x3f: {  	_ =	shalt  }
0x40: {  	_ =	shalt  }
0x41: {  	_ =	shalt  }
0x42: {  	_ =	shalt  }
0x43: {  	_ =	shalt  }
0x44: {  	_ =	shalt  }
0x45: {  	_ =	shalt  }
0x46: {  	_ =	shalt  }
0x47: {  	_ =	shalt  }
0x48: {  	_ =	shalt  }
0x49: {  	_ =	shalt  }
0x4a: {  	_ =	shalt  }
0x4b: {  	_ =	shalt  }
0x4c: {  	_ =	shalt  }
0x4d: {  	_ =	shalt  }
0x4e: {  	_ =	shalt  }
0x4f: {  	_ =	shalt  }
0x50: {  	_ =	shalt  }
0x51: {  	_ =	shalt  }
0x52: {  	_ =	shalt  }
0x53: {  	_ =	shalt  }
0x54: {  	_ =	shalt  }
0x55: {  	_ =	shalt  }
0x56: {  	_ =	shalt  }
0x57: {  	_ =	shalt  }
0x58: {  	_ =	shalt  }
0x59: {  	_ =	shalt  }
0x5a: {  	_ =	shalt  }
0x5b: {  	_ =	shalt  }
0x5c: {  	_ =	shalt  }
0x5d: {  	_ =	shalt  }
0x5e: {  	_ =	shalt  }
0x5f: {  	_ =	shalt  }
0x60: {  	_ =	shalt  }
0x61: {  	_ =	shalt  }
0x62: {  	_ =	shalt  }
0x63: {  	_ =	shalt  }
0x64: {  	_ =	shalt  }
0x65: {  	_ =	shalt  }
0x66: {  	_ =	shalt  }
0x67: {  	_ =	shalt  }
0x68: {  	_ =	shalt  }
0x69: {  	_ =	shalt  }
0x6a: {  	_ =	shalt  }
0x6b: {  	_ =	shalt  }
0x6c: {  	_ =	shalt  }
0x6d: {  	_ =	shalt  }
0x6e: {  	_ =	shalt  }
0x6f: {  	_ =	shalt  }
0x70: {  	_ =	shalt  }
0x71: {  	_ =	shalt  }
0x72: {  	_ =	shalt  }
0x73: {  	_ =	shalt  }
0x74: {  	_ =	shalt  }
0x75: {  	_ =	shalt  }
0x76: {  	_ =	shalt  }
0x77: {  	_ =	shalt  }
0x78: {  	_ =	shalt  }
0x79: {  	_ =	shalt  }
0x7a: {  	_ =	shalt  }
0x7b: {  	_ =	shalt  }
0x7c: {  	_ =	shalt  }
0x7d: {  	_ =	shalt  }
0x7e: {  	_ =	shalt  }
0x7f: {  	_ =	shalt  }
0x80: {  	_ =	shalt  }
0x81: {  	_ =	shalt  }
0x82: {  	_ =	shalt  }
0x83: {  	_ =	shalt  }
0x84: {  	_ =	shalt  }
0x85: {  	_ =	shalt  }
0x86: {  	_ =	shalt  }
0x87: {  	_ =	shalt  }
.Lfunc_end0:
.L_simem_size_0:
called_computation_lowered:
.L_overlay_start_0:
0x88: {  	s2 =	sld [smem:$0x3FD9]  }
0x89: {  	s3 =	sld [smem:$0x3FFE];
	_ =	sdelay $0x1  }
0x8a: {  	s1 =	srdreg.scid  }
0x8b: {  	s0 =	sand.u32 $0x1, s1  }
0x8c: {  	s17 =	sshll.u32 s0, $0xA;
	s2 =	sadd.s32 s3, s2  }
0x8d: {  	s2 =	sadd.s32 s2, s17  }
0x8e: {  	[smem:$0x3FC6] =	sst s2  }
0x8f: {  	_ = 	snop  }
0x90: {  	s2 =	sld [smem:$0x3FC9]  }
0x91: {  	s18 =	sld [smem:$0x3FC8];
	(tm) =	ssettm $0x1  }
0x92: {  	s4 =	sld [smem:$0x3FFB];
	_ =	sdelay $0x3  }
0x93: {  	_ =	strace s4  }
0x94: {  	s4 =	sld [smem:$0x3FFC];
	_ =	sdelay $0x3  }
0x95: {  	_ =	strace s4  }
0x96: {  	s4 =	sld [smem:$0x3FFD];
	_ =	sdelay $0x3  }
0x97: {  	_ =	strace s4  }
0x98: {  	_ =	strace $0x8FFFFFFF  }
0x99: {  	s19 =	sld [smem:$0x3FDB];
	_ =	sdelay $0x1  }
0x9a: {  	s5 =	simm.s32 $_scs_section_size  }
0x9b: {  	s6 =	simm.s32 $_size__tile_overlayer_lowered;
	s7 =	simm.s32 $_tile_overlayer_lowered  }
0x9c: {  	s22 =	simm.s32 $0x1BFF;
	s21 =	sshll.u32 s7, $0x1;
	s4 =	sadd.s32 s5, s19  }
0x9d: {  	s8 =	simm.s32 $0x0;
	s20 =	sshll.u32 s6, $0x1;
	s6 =	sadd.s32 s21, s4  }
0x9e: {  	[timem:s8], [sflag:s22] =	dma.local [hbm:s6], s20  }
0x9f: {  	_ =	swait.ge [sflag:s22], s20  }
0xa0: {  	s5 =	ssub.s32 $0x0, s20;
	[sflag:s22] =	ssyncset.done $0x0  }
0xa1: {  	[sflag:s22] =	ssyncadd.s32 s5;
	_ =	sdelay $0x1  }
0xa2: {  	s23 =	simm.s32 $0x1B8B  }
0xa3: {  	_ =	swait.ge [sflag:s23], $0x1  }
0xa4: {  	[sflag:s23] =	ssyncset.done $0x0  }
0xa5: {  	s25 =	simm.s32 $0x1B8E;
	s24 =	sld [smem:$0x3FFE];
	[sflag:s23] =	ssyncadd.s32 $0xFFFFFFFF  }
0xa6: {  	s26 =	simm.s32 $execute0_lowered;
	[smem:$0x3FD2] =	sst s25  }
0xa7: {  	s6 =	sshll.u32 s26, $0x1;
	_ =	strace $0x80000046;
	[dreg:$0x1] =	wrdreg $0xFFFFFFFF  }
0xa8: {  	s28 =	simm.s32 $_size_execute0_lowered;
	s4 =	sadd.s32 s4, s6;
	[dreg:$0x0] =	wrdreg $0x0  }
0xa9: {  	s6 =	sshll.u32 s28, $0x1;
	[dreg:$0x2] =	wrdreg s4  }
0xaa: {  	[dreg:$0x3] =	wrdreg s6  }
0xab: {  	[dreg:$0x4] =	wrdreg $0xC0  }
0xac: {  	_ =	task [dreg:s8], $0x5FFFF  }
0xad: {  	[dreg:$0x1] =	wrdreg $0xFFFFFFFF  }
0xae: {  	[dreg:$0x0] =	wrdreg $0x60  }
0xaf: {  	[dreg:$0x2] =	wrdreg s2  }
0xb0: {  	[dreg:$0x3] =	wrdreg s18  }
0xb1: {  	[dreg:$0x4] =	wrdreg s24  }
0xb2: {  	[dreg:$0x5] =	wrdreg $0x9  }
0xb3: {  	_ =	task.clear_ibuf [dreg:s8], $0x6FFFF;
	_ =	strace $0x90000046  }
0xb4: {  	s29 =	simm.s32 $0x9;
	_ =	strace $0x80000051  }
0xb5: {  	_ =	swait.ge [sflag:s29], $0x1  }
0xb6: {  	[sflag:s29] =	ssyncadd.s32 $0xFFFFFFFF  }
0xb7: {  	_ =	strace $0x90000051  }
0xb8: {  	_ =	sfence  }
0xb9: {  	s30 =	sld [smem:$0x0];
	_ =	sdelay $0x2  }
0xba: {  	s31 =	sshll.u32 s1, $0xD;
	s1 =	sshrl.u32 s1, $0x2  }
0xbb: {  	s3 =	sand.u32 $0x4000, s31;
	s1 =	sadd.s32 s1, s30  }
0xbc: {  	s0 =	sor.u32 s3, s0;
	s1 =	sshll.u32 s1, $0x11  }
0xbd: {  	s0 =	sor.u32 s1, s0  }
0xbe: {  	s0 =	sadd.s32 $0x8F2B, s0  }
0xbf: {  	[sflag:s0] =	ssyncadd.remote.s32 $0x1  }
0xc0: {  	_ =	sfence.sel $0xFFFF  }
0xc1: {  	[dreg:$0x0] =	wrdreg $0xFFFFFFFF;
	(pc) =	sbr.abs _section_cstart, $3  }
0xc2: {  	[dreg:$0x1] =	wrdreg $0xFFFFFFFF  }
0xc3: {  	_ =	task.clear_ibuf [dreg:s8], $0x2FFFF;
	_ =	strace $0x9FFFFFFF  }
0xc4: {  	(tm) =	ssettm $0x7FFFFFFF  }
0xc5: {  	_ =	shalt  }
tec
execute0_lowered:
.L_overlay_start_1:
0x0: {  	(tag) =	ssettag $0x1  }
0x1: {  	s1 =	rddreg [dreg:$0x0]  }
0x2: {  	s2 =	rddreg [dreg:$0x1];
	s3 =	srdreg.scid  }
0x3: {  	s0 =	rddreg [dreg:$0x2];
	s5 =	stileid.u32;
	s3 =	sand.u32 $0x1, s3  }
0x4: {  	s4 =	simm.s32 $0x0;
	s5 =	sshll.u32 s5, $0x2;
	s28 =	sshll.u32 s3, $0x6  }
0x5: {  	[smem:$0x7FF] =	sst s4;
	s5 =	sor.u32 s5, s28  }
0x6: {  	s6 =	sadd.s32 $0x400, s0;
	s3 =	ssub.s32 $0x2, s3;
	s4 =	sshll.u32 s5, $0x9  }
0x7: {  	_ =	strace $0x80000047;
	s29 =	sshrl.u32 s3, $0x1;
	s30 =	sadd.s32 s1, s4  }
0x8: {  	s0 =	ssub.s32 s3, s29;
	s31 =	sadd.s32 s2, s4;
	[dreg:$0x4] =	wrdreg s30  }
0x9: {  	s0 =	smax.u32 s0, $0x1;
	[dreg:$0x5] =	wrdreg s31  }
0xa: {  	s11 =	simm.s32 $0x0;
	[dreg:$0x6] =	wrdreg s0  }
.LBB2_1:
0xb: {  	_ =	strace $0x80000048;
	s0 =	simm.s32 $0x0  }
0xc: {  	s4 =	simm.s32 $0x8000;
	s13 =	simm.s32 $0x0;
	s12 =	simm.s32 $0x0  }
0xd: {  	s14 =	simm.s32 $0x0;
	s15 =	simm.s32 $0x0;
	s3 =	rddreg [dreg:$0x4]  }
0xe: {  	[tilespmem:s0], [sflag:$0x1] =	stream.linear.gather [hbm4b:s3+s0], $0x4000, $0x200038;
	[tilespmem:$0x18000] =	vst v63  }
0xf: {  	s16 =	simm.s32 $0x1;
	s17 =	simm.s32 $0x0;
	s31 =	rddreg [dreg:$0x5]  }
0x10: {  	[tilespmem:s4], [sflag:$0x3] =	stream.linear.gather [hbm4b:s31+s0], $0x4000, $0x200038;
	[tilespmem:$0x18000] =	vst v63  }
0x11: {  	s18 =	simm.s32 $0x1;
	s19 =	simm.s32 $0x0;
	_ =	strace $0x90000048  }
.LBB2_2:
0x12: {  	s0 =	sadd.s32 s5, s13  }
0x13: {  	s3 =	sadd.s32 $0xFFFFFFFF, s13;
	p4 =	seq.s32 s13, $0x0;
	s13 =	sadd.s32 $0x1, s13  }
0x14: {  	p0 =	seq.s32 s13, $0x4  }
0x15: {  	s13 =	simm.s32 @p0 $0x0  }
0x16: {  	s4 =	sadd.s32 s5, s13  }
0x17: {  	s7 =	sshra.s32 s0, $0x1F;
	s8 =	sshra.s32 s4, $0x1F  }
0x18: {  	s7 =	sshrl.u32 s7, $0x1E;
	s8 =	sshrl.u32 s8, $0x1E  }
0x19: {  	s7 =	sadd.s32 s7, s0;
	s8 =	sadd.s32 s8, s4  }
0x1a: {  	s9 =	sand.u32 $0xFFFFFFFC, s7;
	s10 =	sand.u32 $0xFFFFFFFC, s8  }
0x1b: {  	s20 =	sshra.s32 s7, $0x2;
	s21 =	ssub.s32 s0, s9;
	s22 =	ssub.s32 s4, s10  }
0x1c: {  	s0 =	sshll.u32 s21, $0x9;
	s4 =	sshra.s32 s8, $0x2;
	s26 =	sshll.u32 s22, $0x9  }
0x1d: {  	s0 =	sadd.s32 s20, s0;
	s7 =	sadd.s32 s4, s26  }
0x1e: {  	p3 =	sne.s32 s19, $0x3;
	p0 =	sne.s32 s0, s7  }
0x1f: {  	s3 =	simm.s32 @p4 $0x3;
	p1 =	por !p3, !p0  }
0x20: {  	s3 =	sadd.s32 s5, s3;
	p2 =	por !p1, !p1  }
0x21: {  	p1 =	sne.s32 s20, s4;
	_ =	strace @p2 $0x80000049;
	s8 =	sand.u32 @p2 $0x1, s18  }
0x22: {  	s7 =	sshll.u32 @p2 s7, $0xB;
	s10 =	simm.s32 @p2 $0x0;
	p3 =	por !p3, !p1  }
0x23: {  	s9 =	sshll.u32 @p2 s8, $0xE;
	s7 =	sand.u32 @p2 $0x1FFFF800, s7;
	p3 =	por !p3, !p3  }
0x24: {  	s8 =	sadd.s32 @p2 $0x1, s8;
	s7 =	sadd.s32 @p2 s1, s7;
	s4 =	sshll.u32 @p3 s4, $0xB  }
0x25: {  	[tilespmem:s9], [sflag:s8] =	stream.linear.gather @p2 [hbm4b:s7+s10], $0x4000, $0x200038;
	[tilespmem:$0x18000] =	vst v63  }
0x26: {  	s7 =	sand.u32 @p3 $0x1, s16;
	s4 =	sand.u32 @p3 $0x1FFFF800, s4;
	s9 =	simm.s32 @p3 $0x0  }
0x27: {  	_ =	strace @p2 $0x90000049;
	s8 =	sshll.u32 @p3 s7, $0xE;
	s7 =	sadd.s32 @p3 $0x3, s7  }
0x28: {  	s4 =	sadd.s32 @p3 s2, s4;
	_ =	strace @p3 $0x8000004A;
	s8 =	sor.u32 @p3 $0x8000, s8  }
0x29: {  	[tilespmem:s8], [sflag:s7] =	stream.linear.gather @p3 [hbm4b:s4+s9], $0x4000, $0x200038;
	[tilespmem:$0x18000] =	vst v63  }
0x2a: {  	s8 =	sshra.s32 s3, $0x1F  }
0x2b: {  	s4 =	sshrl.u32 s8, $0x1E  }
0x2c: {  	s4 =	sadd.s32 s4, s3  }
0x2d: {  	s9 =	sand.u32 $0xFFFFFFFC, s4  }
0x2e: {  	s23 =	ssub.s32 s3, s9  }
0x2f: {  	s24 =	sshra.s32 s4, $0x2;
	s3 =	sshll.u32 s23, $0x9  }
0x30: {  	p4 =	seq.s32 s19, $0x0;
	s3 =	sadd.s32 s24, s3  }
0x31: {  	p5 =	seq.s32 @!p4 s0, s3  }
0x32: {  	_ =	strace @p3 $0x9000004A;
	s0 =	sand.u32 $0x1, s17;
	p5 =	por p4, !p5  }
0x33: {  	_ =	strace @p5 $0x8000004B;
	s3 =	sadd.s32 @p5 $0x1, s0  }
0x34: {  	s25 =	sand.u32 $0x1, s14;
	_ =	swait.ge @p5 [sflag:s3], $0x4000  }
0x35: {  	s10 =	sshll.u32 s25, $0xE;
	[sflag:s3] =	ssyncset.done @p5 $0x0  }
0x36: {  	s31 =	simm.s32 $0x0;
	s26 =	sor.u32 $0x10000, s10;
	[sflag:s3] =	ssyncadd.s32 @p5 $0xFFFFC000  }
0x37: {  	s30 =	sor.u32 $0x10040, s10;
	_ =	strace @p5 $0x9000004B;
	p5 =	seq.s32 @!p4 s20, s24  }
0x38: {  	s7 =	simm.s32 $0x1;
	s3 =	sand.u32 $0x1, s15;
	p4 =	por p4, !p5  }
0x39: {  	s7 =	simm.s32 @!p3 $0x0;
	_ =	strace @p4 $0x8000004C;
	s4 =	sadd.s32 @p4 $0x3, s3  }
0x3a: {  	s16 =	sadd.s32 s7, s16;
	s0 =	sshll.u32 s0, $0xE;
	_ =	swait.ge @p4 [sflag:s4], $0x4000  }
0x3b: {  	s28 =	sor.u32 $0x40, s0;
	s0 =	simm.s32 $0x0;
	[sflag:s4] =	ssyncset.done @p4 $0x0  }
0x3c: {  	s3 =	sshll.u32 s3, $0xE;
	[sflag:s4] =	ssyncadd.s32 @p4 $0xFFFFC000;
	s4 =	simm.s32 $0x1  }
0x3d: {  	s29 =	sor.u32 $0x8040, s3;
	_ =	strace @p4 $0x9000004C;
	s4 =	simm.s32 @!p2 $0x0  }
0x3e: {  	s3 =	simm.s32 $0x0;
	s18 =	sadd.s32 s4, s18;
	_ =	strace $0x8000004D  }
.LBB2_3:
0x3f: {  	s4 =	sshll.u32 s0, $0x2;
	s7 =	sand.u32 $0x7, s31  }
0x40: {  	s4 =	sand.u32 $0xFFFF8000, s4;
	s7 =	sshll.u32 s7, $0x9  }
0x41: {  	s4 =	sor.u32 s7, s4  }
0x42: {  	s7 =	sshrl.u32 s4, $0x2  }
0x43: {  	s4 =	sadd.s32 s7, s28  }
0x44: {  	s10 =	sadd.s32 s7, s29;
	v0 =	vld [tilespmem:s4+$0xFFFFFFC0]  }
0x45: {  	v1 =	vld [tilespmem:s10+$0xFFFFFFC0];
	_ =	sdelay $0x4  }
0x46: {  	v0 =	vadd.f32 v1, v0  }
0x47: {  	s7 =	sadd.s32 s7, s30  }
0x48: {  	[tilespmem:s7+$0xFFFFFFC0] =	vst v0  }
0x49: {  	v0 =	vld [tilespmem:s10+$0xFFFFFFD0]  }
0x4a: {  	v1 =	vld [tilespmem:s4+$0xFFFFFFD0];
	_ =	sdelay $0x4  }
0x4b: {  	v0 =	vadd.f32 v0, v1;
	_ =	sdelay $0x1  }
0x4c: {  	[tilespmem:s7+$0xFFFFFFD0] =	vst v0  }
0x4d: {  	v0 =	vld [tilespmem:s4+$0xFFFFFFE0]  }
0x4e: {  	v1 =	vld [tilespmem:s10+$0xFFFFFFE0];
	_ =	sdelay $0x4  }
0x4f: {  	v0 =	vadd.f32 v1, v0;
	_ =	sdelay $0x1  }
0x50: {  	[tilespmem:s7+$0xFFFFFFE0] =	vst v0  }
0x51: {  	v0 =	vld [tilespmem:s4+$0xFFFFFFF0]  }
0x52: {  	v1 =	vld [tilespmem:s10+$0xFFFFFFF0];
	_ =	sdelay $0x4  }
0x53: {  	v0 =	vadd.f32 v1, v0;
	_ =	sdelay $0x1  }
0x54: {  	[tilespmem:s7+$0xFFFFFFF0] =	vst v0  }
0x55: {  	v0 =	vld [tilespmem:s4+$0x0]  }
0x56: {  	v1 =	vld [tilespmem:s10+$0x0];
	_ =	sdelay $0x4  }
0x57: {  	v0 =	vadd.f32 v1, v0;
	_ =	sdelay $0x1  }
0x58: {  	[tilespmem:s7+$0x0] =	vst v0  }
0x59: {  	v0 =	vld [tilespmem:s4+$0x10]  }
0x5a: {  	v1 =	vld [tilespmem:s10+$0x10];
	_ =	sdelay $0x4  }
0x5b: {  	v0 =	vadd.f32 v1, v0;
	_ =	sdelay $0x1  }
0x5c: {  	[tilespmem:s7+$0x10] =	vst v0  }
0x5d: {  	v0 =	vld [tilespmem:s4+$0x20]  }
0x5e: {  	v1 =	vld [tilespmem:s10+$0x20];
	_ =	sdelay $0x4  }
0x5f: {  	v0 =	vadd.f32 v1, v0;
	_ =	sdelay $0x1  }
0x60: {  	[tilespmem:s7+$0x20] =	vst v0  }
0x61: {  	s8 =	simm.s32 $0x0;
	s9 =	sadd.s32 $0x400, s7;
	v0 =	vld [tilespmem:s4+$0x30]  }
.LBB2_4:
0x62: {  	s8 =	sadd.s32 $0x8, s8;
	v1 =	vld [tilespmem:s10+$0x30];
	s4 =	sadd.s32 $0x400, s4;
	s10 =	sadd.s32 $0x400, s10  }
0x63: {  	p2 =	slt.u32 s8, $0x38;
	_ =	sdelay $0x3  }
0x64: {  	v0 =	vadd.f32 v1, v0;
	_ =	sdelay $0x1  }
0x65: {  	[tilespmem:s7+$0x30] =	vst v0;
	s7 =	smov.u32 s9  }
0x66: {  	v0 =	vld [tilespmem:s4+$0xFFFFFFC0]  }
0x67: {  	v1 =	vld [tilespmem:s10+$0xFFFFFFC0];
	_ =	sdelay $0x4  }
0x68: {  	v0 =	vadd.f32 v1, v0;
	_ =	sdelay $0x1  }
0x69: {  	[tilespmem:s9+$0xFFFFFFC0] =	vst v0  }
0x6a: {  	v0 =	vld [tilespmem:s10+$0xFFFFFFD0]  }
0x6b: {  	v1 =	vld [tilespmem:s4+$0xFFFFFFD0];
	_ =	sdelay $0x4  }
0x6c: {  	v0 =	vadd.f32 v0, v1;
	_ =	sdelay $0x1  }
0x6d: {  	[tilespmem:s9+$0xFFFFFFD0] =	vst v0  }
0x6e: {  	v0 =	vld [tilespmem:s4+$0xFFFFFFE0]  }
0x6f: {  	v1 =	vld [tilespmem:s10+$0xFFFFFFE0];
	_ =	sdelay $0x4  }
0x70: {  	v0 =	vadd.f32 v1, v0;
	_ =	sdelay $0x1  }
0x71: {  	[tilespmem:s9+$0xFFFFFFE0] =	vst v0  }
0x72: {  	v0 =	vld [tilespmem:s4+$0xFFFFFFF0]  }
0x73: {  	v1 =	vld [tilespmem:s10+$0xFFFFFFF0];
	_ =	sdelay $0x4  }
0x74: {  	v0 =	vadd.f32 v1, v0;
	_ =	sdelay $0x1  }
0x75: {  	[tilespmem:s9+$0xFFFFFFF0] =	vst v0  }
0x76: {  	v0 =	vld [tilespmem:s4+$0x0]  }
0x77: {  	v1 =	vld [tilespmem:s10+$0x0];
	_ =	sdelay $0x4  }
0x78: {  	v0 =	vadd.f32 v1, v0;
	_ =	sdelay $0x1  }
0x79: {  	[tilespmem:s9+$0x0] =	vst v0  }
0x7a: {  	v0 =	vld [tilespmem:s4+$0x10]  }
0x7b: {  	v1 =	vld [tilespmem:s10+$0x10];
	_ =	sdelay $0x4  }
0x7c: {  	v0 =	vadd.f32 v1, v0;
	_ =	sdelay $0x1  }
0x7d: {  	[tilespmem:s9+$0x10] =	vst v0  }
0x7e: {  	v0 =	vld [tilespmem:s4+$0x20]  }
0x7f: {  	v1 =	vld [tilespmem:s10+$0x20];
	_ =	sdelay $0x3  }
.Ltmp0:
0x80: {  	(pc) =	sbr.rel @p2 .LBB2_4-.Ltmp0, $3  }
0x81: {  	v0 =	vadd.f32 v1, v0;
	_ =	sdelay $0x1  }
0x82: {  	[tilespmem:s9+$0x20] =	vst v0  }
0x83: {  	s9 =	sadd.s32 $0x400, s9;
	v0 =	vld [tilespmem:s4+$0x30]  }
0x84: {  	v1 =	vld [tilespmem:s10+$0x30]  }
0x85: {  	s3 =	sadd.s32 $0x1, s3  }
0x86: {  	p2 =	sne.s32 s3, $0x10  }
.Ltmp1:
0x87: {  	_ = 	snop;
	(pc) =	sbr.rel @p2 .LBB2_3-.Ltmp1, $3  }
0x88: {  	_ = 	snop  }
0x89: {  	v0 =	vadd.f32 v1, v0;
	_ =	sdelay $0x1  }
0x8a: {  	s0 =	sadd.s32 $0x400, s0;
	s31 =	sadd.s32 $0x1, s31;
	[tilespmem:s7+$0x30] =	vst v0  }
0x8b: {  	p3 =	sne.s32 s21, s22  }
0x8c: {  	p2 =	seq.s32 s19, $0x3;
	_ =	strace $0x9000004D;
	p3 =	por p3, p1  }
0x8d: {  	p4 =	sne.s32 s20, s24;
	p5 =	sne.s32 s21, s23;
	p3 =	por p2, p3  }
0x8e: {  	p6 =	sne.s32 s19, $0x0;
	s0 =	sshll.u32 @p3 s21, $0x13;
	s3 =	sshll.u32 @p3 s20, $0xE  }
0x8f: {  	s19 =	sadd.s32 $0x1, s19;
	p4 =	por p5, p4;
	s0 =	sadd.s32 @p3 s3, s0  }
0x90: {  	p4 =	por !p6, !p4;
	_ =	strace @p3 $0x8000004E;
	s0 =	sshrl.u32 @p3 s0, $0x3  }
0x91: {  	s4 =	simm.s32 @p3 $0x0;
	s3 =	sadd.s32 @p3 $0x5, s25;
	s0 =	sadd.s32 @p3 s6, s0  }
0x92: {  	[hbm4b:s0+s4] =	stream.linear.scatter @p3 [tilespmem:s26], [sflag:s3], $0x4000, $0x200038;
	[tilespmem:$0x18000] =	vst v63  }
0x93: {  	p0 =	por p2, p0;
	p4 =	por !p4, !p4;
	s3 =	simm.s32 $0x1  }
0x94: {  	s0 =	sand.u32 @p4 $0x1, s12;
	_ =	strace @p3 $0x9000004E;
	s3 =	simm.s32 @!p3 $0x0  }
0x95: {  	s0 =	sadd.s32 @p4 $0x5, s0;
	s14 =	sadd.s32 s3, s14;
	s3 =	simm.s32 $0x1  }
0x96: {  	_ =	strace @p4 $0x8000004F;
	s3 =	simm.s32 @!p0 $0x0;
	p0 =	sne.s32 s19, $0x4  }
.Ltmp2:
0x97: {  	_ =	swait.ge @p4 [sflag:s0], $0x4000;
	(pc) =	sbr.rel @p0 .LBB2_2-.Ltmp2, $4  }
0x98: {  	p1 =	por p2, p1;
	s4 =	simm.s32 $0x1;
	[sflag:s0] =	ssyncset.done @p4 $0x0  }
0x99: {  	s4 =	simm.s32 @!p1 $0x0;
	[sflag:s0] =	ssyncadd.s32 @p4 $0xFFFFC000;
	s0 =	simm.s32 $0x1  }
0x9a: {  	s15 =	sadd.s32 s4, s15;
	s0 =	simm.s32 @!p4 $0x0  }
0x9b: {  	s17 =	sadd.s32 s3, s17;
	_ =	strace @p4 $0x9000004F;
	s12 =	sadd.s32 s0, s12  }
0x9c: {  	s0 =	sand.u32 $0x1, s12  }
0x9d: {  	_ =	strace $0x80000050;
	s0 =	sadd.s32 $0x5, s0  }
0x9e: {  	_ =	swait.ge [sflag:s0], $0x4000  }
0x9f: {  	s11 =	sadd.s32 $0x1, s11;
	s31 =	rddreg [dreg:$0x6]  }
0xa0: {  	p0 =	sne.s32 s11, s31  }
.Ltmp3:
0xa1: {  	_ = 	snop;
	(pc) =	sbr.rel @p0 .LBB2_1-.Ltmp3, $4  }
0xa2: {  	_ = 	snop  }
0xa3: {  	[sflag:s0] =	ssyncset.done $0x0  }
0xa4: {  	[sflag:s0] =	ssyncadd.s32 $0xFFFFC000  }
0xa5: {  	_ =	strace $0x90000050  }
0xa6: {  	_ =	sfence.sel $0x180000  }
0xa7: {  	[bflag:$0x0] =	sbarrier.arrive $0xFFFF  }
0xa8: {  	_ =	strace $0x90000047  }
0xa9: {  	s0 =	stileid.u32;
	[bflag:$0x2] =	sbarrier.arrive $0xFFFF  }
0xaa: {  	p0 =	sne.s32 s0, $0x0;
	s0 =	rddreg [dreg:$0x3]  }
0xab: {  	s0 =	sadd.s32 @!p0 $0x100000, s0  }
0xac: {  	[sflag:s0] =	ssyncadd.tile.s32 @!p0 $0x1;
	_ =	shalt  }
.Lfunc_end2:
_tile_overlayer_lowered:
.L_overlay_start_2:
0xad: {  	(tag) =	ssettag $0x2  }
0xae: {  	s0 =	rddreg [dreg:$0x0];
	s2 =	stileid.u32  }
0xaf: {  	s1 =	rddreg [dreg:$0x1];
	p0 =	sne.s32 s2, $0x0  }
0xb0: {  	s3 =	rddreg [dreg:$0x2];
	[bflag:$0x3] =	sbarrier.arrive $0xFFFF;
	s2 =	simm.s32 @!p0 $0x1C01  }
0xb1: {  	[timem:s3], [sflag:s2] =	dma.local @!p0 [hbm:s0], s1  }
0xb2: {  	s0 =	simm.s32 @!p0 $0x1  }
0xb3: {  	_ =	swait.ge @!p0 [sflag:s0], s1  }
0xb4: {  	s1 =	ssub.s32 @!p0 $0x0, s1;
	[sflag:s0] =	ssyncset.done @!p0 $0x0  }
0xb5: {  	[sflag:s0] =	ssyncadd.s32 @!p0 s1  }
0xb6: {  	[bflag:$0x3] =	sbarrier.arrive $0xFFFF  }
0xb7: {  	_ =	shalt  }

</sc_bundles>
